<compile_context>
chip_gen: v7x
topology: tpu7x:2x2x1
jax: 0.10.2.dev20260603
libtpu: 0.0.44.dev20260713+nightly
codegen_flags: <defaults>
</compile_context>

<pallas_src>
import functools
import jax
import jax.numpy as jnp
from jax import lax
from jax.experimental import pallas as pl
from jax.experimental.pallas import tpu as pltpu
from jax.experimental.pallas import tpu_sc as plsc

B = 4
S = 8192
HID = 1024
NC = 2
NS = 16
NW = NC * NS
SW = S // NW
K = 8
NCH = SW // K
NBUF = 2
LANES = 16
SCALE = 32.0

_mesh = plsc.VectorSubcoreMesh(core_axis_name="c", subcore_axis_name="s")


@functools.partial(
    pl.kernel,
    out_type=jax.ShapeDtypeStruct((B, S, HID), jnp.float32),
    mesh=_mesh,
    scratch_types=[
        pltpu.VMEM((NCH * B * K,), jnp.int32),
        pltpu.VMEM((NBUF, K, HID), jnp.float32),
        pltpu.VMEM((NBUF, B * K, HID), jnp.float32),
        pltpu.SemaphoreType.DMA,
        pltpu.SemaphoreType.DMA,
        pltpu.SemaphoreType.DMA,
    ],
)
def _embed(ids_hbm, table_hbm, pe_hbm, out_hbm, idx_v, pe_v, rows_v,
           gsem, psem, osem):
    wid = lax.axis_index("s") * NC + lax.axis_index("c")
    base = wid * SW

    pltpu.sync_copy(ids_hbm.at[wid], idx_v)

    def fire_in(c, p):
        s0 = base + c * K
        pltpu.async_copy(pe_hbm.at[pl.ds(s0, K), :], pe_v.at[p], psem)
        pltpu.async_copy(
            table_hbm.at[idx_v.at[pl.ds(c * B * K, B * K)]],
            rows_v.at[p], gsem)

    def wait_in(c, p):
        s0 = base + c * K
        pltpu.make_async_copy(pe_hbm.at[pl.ds(s0, K), :], pe_v.at[p], psem).wait()
        pltpu.make_async_copy(
            table_hbm.at[idx_v.at[pl.ds(c * B * K, B * K)]],
            rows_v.at[p], gsem).wait()

    def fire_out(c, p):
        s0 = base + c * K
        for b in range(B):
            pltpu.async_copy(
                rows_v.at[p, pl.ds(b * K, K), :],
                out_hbm.at[b, pl.ds(s0, K), :], osem)

    def wait_out_one(p):
        for b in range(B):
            pltpu.make_async_copy(
                rows_v.at[p, pl.ds(b * K, K), :],
                out_hbm.at[b, pl.ds(0, K), :], osem).wait()

    fire_in(0, 0)

    @pl.loop(0, NCH, step=NBUF)
    def _group(c0):
        for ph in range(NBUF):
            c = c0 + ph
            nxt = (ph + 1) % NBUF

            @pl.when(c >= NBUF - 1)
            def _():
                wait_out_one(nxt)

            @pl.when(c + 1 < NCH)
            def _():
                fire_in(c + 1, nxt)

            wait_in(c, ph)

            @pl.loop(0, K)
            def _row(r):
                @plsc.parallel_loop(0, HID // LANES, unroll=8)
                def _vec(j):
                    off = pl.ds(j * LANES, LANES)
                    pv = pe_v[ph, r, off]
                    for b in range(B):
                        rows_v[ph, b * K + r, off] = (
                            rows_v[ph, b * K + r, off] * SCALE + pv)

            fire_out(c, ph)

    for p in range(NBUF - 1):
        wait_out_one((NCH + p) % NBUF)


def kernel(token_ids, table, pe):
    ids = token_ids.astype(jnp.int32)
    ids_perm = (ids.reshape(B, NW, NCH, K)
                   .transpose(1, 2, 0, 3)
                   .reshape(NW, NCH * B * K))
    pe2 = pe.reshape(pe.shape[1], pe.shape[2])[:S]
    return _embed(ids_perm, table, pe2)

# --- scband reference (transcript-rebuilt; emitter-appended) ---
"""Pipeline reference for scband-open-embedder-74277164417695 (READ-ONLY COPY).

The authoritative reference and input builder live on the scoring server;
editing this copy changes nothing except your own understanding.
"""

import jax, jax.numpy as jnp
import numpy as np
import math

VOCAB = 100000
HID = 1024
PAD = 0
MAXPOS = 8192
B = 4
S = 8192


def _make_pe():
    position = np.arange(0, MAXPOS, dtype=np.float32)[:, None]
    div_term = np.exp(np.arange(0, HID, 2, dtype=np.float32) * (-math.log(10000.0) / HID))
    pe = np.zeros((MAXPOS, HID), dtype=np.float32)
    pe[:, 0::2] = np.sin(position * div_term)
    pe[:, 1::2] = np.cos(position * div_term)
    return jnp.asarray(pe)[None, :, :]  # (1, MAXPOS, HID)


def setup_inputs(seed: int = 0) -> dict:
    key = jax.random.key(seed)
    k_ids, k_tab = jax.random.split(key)
    token_ids = jax.random.randint(k_ids, (B, S), 0, VOCAB, dtype=jnp.int64 if jax.config.jax_enable_x64 else jnp.int32)
    table = jax.random.normal(k_tab, (VOCAB, HID), dtype=jnp.float32) * 0.02
    table = table.at[PAD].set(0.0)  # padding_idx row zeroed like nn.Embedding
    pe = _make_pe()
    return {"token_ids": token_ids, "table": table, "pe": pe}


def reference(token_ids, table, pe):
    # nn.Embedding lookup (gather rows), scale by sqrt(hidden), add sinusoidal PE.
    emb = jnp.take(table, token_ids, axis=0)           # (B, S, HID)
    emb = emb * math.sqrt(HID)
    emb = emb + pe[:, :token_ids.shape[1], :]
    # dropout rate 0.0 -> identity
    return emb

if __name__ == "__main__":
    import jax
    _d = setup_inputs()
    print(jax.jit(kernel)(*tuple(_d.values())))

</pallas_src>

<mosaic_0001>
#map = affine_map<(d0, d1) -> (0, 0)>
#map1 = affine_map<(d0, d1) -> (0, 0, 0)>
module attributes {stable_mosaic.version = 14 : i64} {
  func.func @_embed(%arg0: i32, %arg1: i32, %arg2: memref<32x1024xi32, #tpu.memory_space<hbm>>, %arg3: memref<100000x1024xf32, #tpu.memory_space<hbm>>, %arg4: memref<8192x1024xf32, #tpu.memory_space<hbm>>, %arg5: memref<4x8192x1024xf32, #tpu.memory_space<hbm>>, %arg6: memref<1024xi32, #tpu.memory_space<vmem>>, %arg7: memref<2x8x1024xf32, #tpu.memory_space<vmem>>, %arg8: memref<2x32x1024xf32, #tpu.memory_space<vmem>>, %arg9: memref<!tpu.dma_semaphore, #tpu.memory_space<semaphore_mem>>, %arg10: memref<!tpu.dma_semaphore, #tpu.memory_space<semaphore_mem>>, %arg11: memref<!tpu.dma_semaphore, #tpu.memory_space<semaphore_mem>>) attributes {dimension_semantics = [#tpu.dimension_semantics<core_parallel>, #tpu.dimension_semantics<subcore_parallel>], iteration_bounds = array<i64: 2, 16>, scalar_prefetch = 0 : i64, scratch_operands = 6 : i64, tpu.core_type = #tpu.core_type<sc_vector_subcore>, window_params = [{transform_indices = #map}, {transform_indices = #map}, {transform_indices = #map}, {transform_indices = #map1}]} {
    %mul3A = arith.constant 2 : i32
    %mul3A_0 = arith.muli %arg1, %mul3A : i32
    %add3A = arith.addi %mul3A_0, %arg0 : i32
    %mul3A_1 = arith.constant 256 : i32
    %mul3A_2 = arith.muli %add3A, %mul3A_1 : i32
    "tpu.region"() ({
      %run_scoped3A = tpu.sem_alloc : memref<!tpu.dma_semaphore, #tpu.memory_space<semaphore_mem>>
      %dma_start3A_102 = arith.constant 0 : i32
      %dma_start3A_103 = tpu.memref_slice %arg2[%add3A, %dma_start3A_102] : memref<32x1024xi32, #tpu.memory_space<hbm>> -> memref<1x1024xi32, #tpu.memory_space<hbm>>
      %dma_start3A_104 = tpu.memref_squeeze %dma_start3A_103 : memref<1x1024xi32, #tpu.memory_space<hbm>> -> memref<1024xi32, #tpu.memory_space<hbm>>
      %dma_start3A_105 = arith.constant 0 : i32
      %dma_start3A_106 = tpu.memref_slice %arg2[%add3A, %dma_start3A_105] : memref<32x1024xi32, #tpu.memory_space<hbm>> -> memref<1x1024xi32, #tpu.memory_space<hbm>>
      %dma_start3A_107 = tpu.memref_squeeze %dma_start3A_106 : memref<1x1024xi32, #tpu.memory_space<hbm>> -> memref<1024xi32, #tpu.memory_space<hbm>>
      tpu.enqueue_dma source(%dma_start3A_107 : memref<1024xi32, #tpu.memory_space<hbm>>) target(%arg6 : memref<1024xi32, #tpu.memory_space<vmem>>) target_semaphore(%run_scoped3A : memref<!tpu.dma_semaphore, #tpu.memory_space<semaphore_mem>>)
      %dma_wait3A_108 = arith.constant 0 : i32
      %dma_wait3A_109 = tpu.memref_slice %arg2[%add3A, %dma_wait3A_108] : memref<32x1024xi32, #tpu.memory_space<hbm>> -> memref<1x1024xi32, #tpu.memory_space<hbm>>
      %dma_wait3A_110 = tpu.memref_squeeze %dma_wait3A_109 : memref<1x1024xi32, #tpu.memory_space<hbm>> -> memref<1024xi32, #tpu.memory_space<hbm>>
      %dma_wait3A_111 = arith.constant 0 : i32
      %dma_wait3A_112 = tpu.memref_slice %arg2[%add3A, %dma_wait3A_111] : memref<32x1024xi32, #tpu.memory_space<hbm>> -> memref<1x1024xi32, #tpu.memory_space<hbm>>
      %dma_wait3A_113 = tpu.memref_squeeze %dma_wait3A_112 : memref<1x1024xi32, #tpu.memory_space<hbm>> -> memref<1024xi32, #tpu.memory_space<hbm>>
      tpu.wait_dma2 semaphore(%run_scoped3A : memref<!tpu.dma_semaphore, #tpu.memory_space<semaphore_mem>>) src(%dma_wait3A_113 : memref<1024xi32, #tpu.memory_space<hbm>>) dst(%arg6 : memref<1024xi32, #tpu.memory_space<vmem>>)
      tpu.yield
    }) : () -> ()
    %add3A_3 = arith.constant 0 : i32
    %add3A_4 = arith.addi %mul3A_2, %add3A_3 : i32
    %dma_start3A = arith.constant 0 : i32
    %dma_start3A_5 = arith.constant 0 : i32
    %dma_start3A_6 = arith.constant 0 : i32
    %dma_start3A_7 = tpu.memref_slice %arg7[%dma_start3A, %dma_start3A_5, %dma_start3A_6] : memref<2x8x1024xf32, #tpu.memory_space<vmem>> -> memref<1x8x1024xf32, #tpu.memory_space<vmem>>
    %dma_start3A_8 = tpu.memref_squeeze %dma_start3A_7 : memref<1x8x1024xf32, #tpu.memory_space<vmem>> -> memref<8x1024xf32, #tpu.memory_space<vmem>>
    %dma_start3A_9 = arith.constant 0 : i32
    %dma_start3A_10 = tpu.memref_slice %arg4[%add3A_4, %dma_start3A_9] : memref<8192x1024xf32, #tpu.memory_space<hbm>> -> memref<8x1024xf32, #tpu.memory_space<hbm>>
    %dma_start3A_11 = arith.constant 0 : i32
    %dma_start3A_12 = arith.constant 0 : i32
    %dma_start3A_13 = tpu.memref_slice %arg7[%dma_start3A, %dma_start3A_11, %dma_start3A_12] : memref<2x8x1024xf32, #tpu.memory_space<vmem>> -> memref<1x8x1024xf32, #tpu.memory_space<vmem>>
    %dma_start3A_14 = tpu.memref_squeeze %dma_start3A_13 : memref<1x8x1024xf32, #tpu.memory_space<vmem>> -> memref<8x1024xf32, #tpu.memory_space<vmem>>
    %dma_start3A_15 = arith.constant 0 : i32
    %dma_start3A_16 = tpu.memref_slice %arg4[%add3A_4, %dma_start3A_15] : memref<8192x1024xf32, #tpu.memory_space<hbm>> -> memref<8x1024xf32, #tpu.memory_space<hbm>>
    tpu.enqueue_dma source(%dma_start3A_16 : memref<8x1024xf32, #tpu.memory_space<hbm>>) target(%dma_start3A_14 : memref<8x1024xf32, #tpu.memory_space<vmem>>) target_semaphore(%arg10 : memref<!tpu.dma_semaphore, #tpu.memory_space<semaphore_mem>>)
    %dma_start3A_17 = arith.constant 0 : i32
    %dma_start3A_18 = arith.constant 0 : i32
    %dma_start3A_19 = arith.constant 0 : i32
    %dma_start3A_20 = tpu.memref_slice %arg8[%dma_start3A_17, %dma_start3A_18, %dma_start3A_19] : memref<2x32x1024xf32, #tpu.memory_space<vmem>> -> memref<1x32x1024xf32, #tpu.memory_space<vmem>>
    %dma_start3A_21 = tpu.memref_squeeze %dma_start3A_20 : memref<1x32x1024xf32, #tpu.memory_space<vmem>> -> memref<32x1024xf32, #tpu.memory_space<vmem>>
    %dma_start3A_22 = arith.constant 0 : i32
    %dma_start3A_23 = tpu.memref_slice %arg6[%dma_start3A_22] : memref<1024xi32, #tpu.memory_space<vmem>> -> memref<32xi32, #tpu.memory_space<vmem>>
    %dma_start3A_24 = arith.constant 0 : i32
    %dma_start3A_25 = arith.constant 0 : i32
    %dma_start3A_26 = tpu.memref_slice %arg3[%dma_start3A_24, %dma_start3A_25] : memref<100000x1024xf32, #tpu.memory_space<hbm>> -> memref<100000x1024xf32, #tpu.memory_space<hbm>>
    tpu.enqueue_indirect_dma source(%dma_start3A_26 : memref<100000x1024xf32, #tpu.memory_space<hbm>>) target(%dma_start3A_21 : memref<32x1024xf32, #tpu.memory_space<vmem>>) offsets(%dma_start3A_23 : memref<32xi32, #tpu.memory_space<vmem>>) semaphore(%arg9 : memref<!tpu.dma_semaphore, #tpu.memory_space<semaphore_mem>>)
    %scan3A = arith.constant 0 : i32
    %scan3A_27 = arith.constant 16 : i32
    %scan3A_28 = arith.addi %scan3A, %scan3A_27 : i32
    %scan3A_29 = arith.constant 1 : i32
    scf.for %scan3A_102 = %scan3A to %scan3A_28 step %scan3A_29  : i32 {
      %mul3A_103 = arith.constant 2 : i32
      %mul3A_104 = arith.muli %scan3A_102, %mul3A_103 : i32
      %add3A_105 = arith.constant 0 : i32
      %add3A_106 = arith.addi %add3A_105, %mul3A_104 : i32
      %add3A_107 = arith.constant 0 : i32
      %add3A_108 = arith.addi %add3A_106, %add3A_107 : i32
      %ge3A = arith.constant 1 : i32
      %ge3A_109 = arith.cmpi sge, %add3A_108, %ge3A : i32
      %convert_element_type3A = arith.extui %ge3A_109 : i1 to i32
      %cond3A = arith.constant 0 : i32
      %cond3A_110 = arith.cmpi ne, %convert_element_type3A, %cond3A : i32
      scf.if %cond3A_110 {
        %dma_wait3A_333 = arith.constant 1 : i32
        %dma_wait3A_334 = arith.constant 0 : i32
        %dma_wait3A_335 = arith.constant 0 : i32
        %dma_wait3A_336 = arith.constant 0 : i32
        %dma_wait3A_337 = tpu.memref_slice %arg8[%dma_wait3A_333, %dma_wait3A_335, %dma_wait3A_336] : memref<2x32x1024xf32, #tpu.memory_space<vmem>> -> memref<1x8x1024xf32, #tpu.memory_space<vmem>>
        %dma_wait3A_338 = tpu.memref_squeeze %dma_wait3A_337 : memref<1x8x1024xf32, #tpu.memory_space<vmem>> -> memref<8x1024xf32, #tpu.memory_space<vmem>>
        %dma_wait3A_339 = arith.constant 0 : i32
        %dma_wait3A_340 = arith.constant 0 : i32
        %dma_wait3A_341 = tpu.memref_slice %arg5[%dma_wait3A_334, %dma_wait3A_339, %dma_wait3A_340] : memref<4x8192x1024xf32, #tpu.memory_space<hbm>> -> memref<1x8x1024xf32, #tpu.memory_space<hbm>>
        %dma_wait3A_342 = tpu.memref_squeeze %dma_wait3A_341 : memref<1x8x1024xf32, #tpu.memory_space<hbm>> -> memref<8x1024xf32, #tpu.memory_space<hbm>>
        %dma_wait3A_343 = arith.constant 0 : i32
        %dma_wait3A_344 = arith.constant 0 : i32
        %dma_wait3A_345 = tpu.memref_slice %arg5[%dma_wait3A_334, %dma_wait3A_343, %dma_wait3A_344] : memref<4x8192x1024xf32, #tpu.memory_space<hbm>> -> memref<1x8x1024xf32, #tpu.memory_space<hbm>>
        %dma_wait3A_346 = tpu.memref_squeeze %dma_wait3A_345 : memref<1x8x1024xf32, #tpu.memory_space<hbm>> -> memref<8x1024xf32, #tpu.memory_space<hbm>>
        %dma_wait3A_347 = arith.constant 0 : i32
        %dma_wait3A_348 = arith.constant 0 : i32
        %dma_wait3A_349 = tpu.memref_slice %arg8[%dma_wait3A_333, %dma_wait3A_347, %dma_wait3A_348] : memref<2x32x1024xf32, #tpu.memory_space<vmem>> -> memref<1x8x1024xf32, #tpu.memory_space<vmem>>
        %dma_wait3A_350 = tpu.memref_squeeze %dma_wait3A_349 : memref<1x8x1024xf32, #tpu.memory_space<vmem>> -> memref<8x1024xf32, #tpu.memory_space<vmem>>
        tpu.wait_dma2 semaphore(%arg11 : memref<!tpu.dma_semaphore, #tpu.memory_space<semaphore_mem>>) src(%dma_wait3A_350 : memref<8x1024xf32, #tpu.memory_space<vmem>>) dst(%dma_wait3A_346 : memref<8x1024xf32, #tpu.memory_space<hbm>>)
        %dma_wait3A_351 = arith.constant 1 : i32
        %dma_wait3A_352 = arith.constant 1 : i32
        %dma_wait3A_353 = arith.constant 8 : i32
        %dma_wait3A_354 = arith.constant 0 : i32
        %dma_wait3A_355 = tpu.memref_slice %arg8[%dma_wait3A_351, %dma_wait3A_353, %dma_wait3A_354] : memref<2x32x1024xf32, #tpu.memory_space<vmem>> -> memref<1x8x1024xf32, #tpu.memory_space<vmem>>
        %dma_wait3A_356 = tpu.memref_squeeze %dma_wait3A_355 : memref<1x8x1024xf32, #tpu.memory_space<vmem>> -> memref<8x1024xf32, #tpu.memory_space<vmem>>
        %dma_wait3A_357 = arith.constant 0 : i32
        %dma_wait3A_358 = arith.constant 0 : i32
        %dma_wait3A_359 = tpu.memref_slice %arg5[%dma_wait3A_352, %dma_wait3A_357, %dma_wait3A_358] : memref<4x8192x1024xf32, #tpu.memory_space<hbm>> -> memref<1x8x1024xf32, #tpu.memory_space<hbm>>
        %dma_wait3A_360 = tpu.memref_squeeze %dma_wait3A_359 : memref<1x8x1024xf32, #tpu.memory_space<hbm>> -> memref<8x1024xf32, #tpu.memory_space<hbm>>
        %dma_wait3A_361 = arith.constant 0 : i32
        %dma_wait3A_362 = arith.constant 0 : i32
        %dma_wait3A_363 = tpu.memref_slice %arg5[%dma_wait3A_352, %dma_wait3A_361, %dma_wait3A_362] : memref<4x8192x1024xf32, #tpu.memory_space<hbm>> -> memref<1x8x1024xf32, #tpu.memory_space<hbm>>
        %dma_wait3A_364 = tpu.memref_squeeze %dma_wait3A_363 : memref<1x8x1024xf32, #tpu.memory_space<hbm>> -> memref<8x1024xf32, #tpu.memory_space<hbm>>
        %dma_wait3A_365 = arith.constant 8 : i32
        %dma_wait3A_366 = arith.constant 0 : i32
        %dma_wait3A_367 = tpu.memref_slice %arg8[%dma_wait3A_351, %dma_wait3A_365, %dma_wait3A_366] : memref<2x32x1024xf32, #tpu.memory_space<vmem>> -> memref<1x8x1024xf32, #tpu.memory_space<vmem>>
        %dma_wait3A_368 = tpu.memref_squeeze %dma_wait3A_367 : memref<1x8x1024xf32, #tpu.memory_space<vmem>> -> memref<8x1024xf32, #tpu.memory_space<vmem>>
        tpu.wait_dma2 semaphore(%arg11 : memref<!tpu.dma_semaphore, #tpu.memory_space<semaphore_mem>>) src(%dma_wait3A_368 : memref<8x1024xf32, #tpu.memory_space<vmem>>) dst(%dma_wait3A_364 : memref<8x1024xf32, #tpu.memory_space<hbm>>)
        %dma_wait3A_369 = arith.constant 1 : i32
        %dma_wait3A_370 = arith.constant 2 : i32
        %dma_wait3A_371 = arith.constant 16 : i32
        %dma_wait3A_372 = arith.constant 0 : i32
        %dma_wait3A_373 = tpu.memref_slice %arg8[%dma_wait3A_369, %dma_wait3A_371, %dma_wait3A_372] : memref<2x32x1024xf32, #tpu.memory_space<vmem>> -> memref<1x8x1024xf32, #tpu.memory_space<vmem>>
        %dma_wait3A_374 = tpu.memref_squeeze %dma_wait3A_373 : memref<1x8x1024xf32, #tpu.memory_space<vmem>> -> memref<8x1024xf32, #tpu.memory_space<vmem>>
        %dma_wait3A_375 = arith.constant 0 : i32
        %dma_wait3A_376 = arith.constant 0 : i32
        %dma_wait3A_377 = tpu.memref_slice %arg5[%dma_wait3A_370, %dma_wait3A_375, %dma_wait3A_376] : memref<4x8192x1024xf32, #tpu.memory_space<hbm>> -> memref<1x8x1024xf32, #tpu.memory_space<hbm>>
        %dma_wait3A_378 = tpu.memref_squeeze %dma_wait3A_377 : memref<1x8x1024xf32, #tpu.memory_space<hbm>> -> memref<8x1024xf32, #tpu.memory_space<hbm>>
        %dma_wait3A_379 = arith.constant 0 : i32
        %dma_wait3A_380 = arith.constant 0 : i32
        %dma_wait3A_381 = tpu.memref_slice %arg5[%dma_wait3A_370, %dma_wait3A_379, %dma_wait3A_380] : memref<4x8192x1024xf32, #tpu.memory_space<hbm>> -> memref<1x8x1024xf32, #tpu.memory_space<hbm>>
        %dma_wait3A_382 = tpu.memref_squeeze %dma_wait3A_381 : memref<1x8x1024xf32, #tpu.memory_space<hbm>> -> memref<8x1024xf32, #tpu.memory_space<hbm>>
        %dma_wait3A_383 = arith.constant 16 : i32
        %dma_wait3A_384 = arith.constant 0 : i32
        %dma_wait3A_385 = tpu.memref_slice %arg8[%dma_wait3A_369, %dma_wait3A_383, %dma_wait3A_384] : memref<2x32x1024xf32, #tpu.memory_space<vmem>> -> memref<1x8x1024xf32, #tpu.memory_space<vmem>>
        %dma_wait3A_386 = tpu.memref_squeeze %dma_wait3A_385 : memref<1x8x1024xf32, #tpu.memory_space<vmem>> -> memref<8x1024xf32, #tpu.memory_space<vmem>>
        tpu.wait_dma2 semaphore(%arg11 : memref<!tpu.dma_semaphore, #tpu.memory_space<semaphore_mem>>) src(%dma_wait3A_386 : memref<8x1024xf32, #tpu.memory_space<vmem>>) dst(%dma_wait3A_382 : memref<8x1024xf32, #tpu.memory_space<hbm>>)
        %dma_wait3A_387 = arith.constant 1 : i32
        %dma_wait3A_388 = arith.constant 3 : i32
        %dma_wait3A_389 = arith.constant 24 : i32
        %dma_wait3A_390 = arith.constant 0 : i32
        %dma_wait3A_391 = tpu.memref_slice %arg8[%dma_wait3A_387, %dma_wait3A_389, %dma_wait3A_390] : memref<2x32x1024xf32, #tpu.memory_space<vmem>> -> memref<1x8x1024xf32, #tpu.memory_space<vmem>>
        %dma_wait3A_392 = tpu.memref_squeeze %dma_wait3A_391 : memref<1x8x1024xf32, #tpu.memory_space<vmem>> -> memref<8x1024xf32, #tpu.memory_space<vmem>>
        %dma_wait3A_393 = arith.constant 0 : i32
        %dma_wait3A_394 = arith.constant 0 : i32
        %dma_wait3A_395 = tpu.memref_slice %arg5[%dma_wait3A_388, %dma_wait3A_393, %dma_wait3A_394] : memref<4x8192x1024xf32, #tpu.memory_space<hbm>> -> memref<1x8x1024xf32, #tpu.memory_space<hbm>>
        %dma_wait3A_396 = tpu.memref_squeeze %dma_wait3A_395 : memref<1x8x1024xf32, #tpu.memory_space<hbm>> -> memref<8x1024xf32, #tpu.memory_space<hbm>>
        %dma_wait3A_397 = arith.constant 0 : i32
        %dma_wait3A_398 = arith.constant 0 : i32
        %dma_wait3A_399 = tpu.memref_slice %arg5[%dma_wait3A_388, %dma_wait3A_397, %dma_wait3A_398] : memref<4x8192x1024xf32, #tpu.memory_space<hbm>> -> memref<1x8x1024xf32, #tpu.memory_space<hbm>>
        %dma_wait3A_400 = tpu.memref_squeeze %dma_wait3A_399 : memref<1x8x1024xf32, #tpu.memory_space<hbm>> -> memref<8x1024xf32, #tpu.memory_space<hbm>>
        %dma_wait3A_401 = arith.constant 24 : i32
        %dma_wait3A_402 = arith.constant 0 : i32
        %dma_wait3A_403 = tpu.memref_slice %arg8[%dma_wait3A_387, %dma_wait3A_401, %dma_wait3A_402] : memref<2x32x1024xf32, #tpu.memory_space<vmem>> -> memref<1x8x1024xf32, #tpu.memory_space<vmem>>
        %dma_wait3A_404 = tpu.memref_squeeze %dma_wait3A_403 : memref<1x8x1024xf32, #tpu.memory_space<vmem>> -> memref<8x1024xf32, #tpu.memory_space<vmem>>
        tpu.wait_dma2 semaphore(%arg11 : memref<!tpu.dma_semaphore, #tpu.memory_space<semaphore_mem>>) src(%dma_wait3A_404 : memref<8x1024xf32, #tpu.memory_space<vmem>>) dst(%dma_wait3A_400 : memref<8x1024xf32, #tpu.memory_space<hbm>>)
      } else {
      }
      %add3A_111 = arith.constant 1 : i32
      %add3A_112 = arith.addi %add3A_108, %add3A_111 : i32
      %lt3A = arith.constant 32 : i32
      %lt3A_113 = arith.cmpi slt, %add3A_112, %lt3A : i32
      %convert_element_type3A_114 = arith.extui %lt3A_113 : i1 to i32
      %cond3A_115 = arith.constant 0 : i32
      %cond3A_116 = arith.cmpi ne, %convert_element_type3A_114, %cond3A_115 : i32
      scf.if %cond3A_116 {
        %add3A_333 = arith.constant 1 : i32
        %add3A_334 = arith.addi %add3A_108, %add3A_333 : i32
        %mul3A_335 = arith.constant 8 : i32
        %mul3A_336 = arith.muli %add3A_334, %mul3A_335 : i32
        %add3A_337 = arith.addi %mul3A_2, %mul3A_336 : i32
        %dma_start3A_338 = arith.constant 1 : i32
        %dma_start3A_339 = arith.constant 0 : i32
        %dma_start3A_340 = arith.constant 0 : i32
        %dma_start3A_341 = tpu.memref_slice %arg7[%dma_start3A_338, %dma_start3A_339, %dma_start3A_340] : memref<2x8x1024xf32, #tpu.memory_space<vmem>> -> memref<1x8x1024xf32, #tpu.memory_space<vmem>>
        %dma_start3A_342 = tpu.memref_squeeze %dma_start3A_341 : memref<1x8x1024xf32, #tpu.memory_space<vmem>> -> memref<8x1024xf32, #tpu.memory_space<vmem>>
        %dma_start3A_343 = arith.constant 0 : i32
        %dma_start3A_344 = tpu.memref_slice %arg4[%add3A_337, %dma_start3A_343] : memref<8192x1024xf32, #tpu.memory_space<hbm>> -> memref<8x1024xf32, #tpu.memory_space<hbm>>
        %dma_start3A_345 = arith.constant 0 : i32
        %dma_start3A_346 = arith.constant 0 : i32
        %dma_start3A_347 = tpu.memref_slice %arg7[%dma_start3A_338, %dma_start3A_345, %dma_start3A_346] : memref<2x8x1024xf32, #tpu.memory_space<vmem>> -> memref<1x8x1024xf32, #tpu.memory_space<vmem>>
        %dma_start3A_348 = tpu.memref_squeeze %dma_start3A_347 : memref<1x8x1024xf32, #tpu.memory_space<vmem>> -> memref<8x1024xf32, #tpu.memory_space<vmem>>
        %dma_start3A_349 = arith.constant 0 : i32
        %dma_start3A_350 = tpu.memref_slice %arg4[%add3A_337, %dma_start3A_349] : memref<8192x1024xf32, #tpu.memory_space<hbm>> -> memref<8x1024xf32, #tpu.memory_space<hbm>>
        tpu.enqueue_dma source(%dma_start3A_350 : memref<8x1024xf32, #tpu.memory_space<hbm>>) target(%dma_start3A_348 : memref<8x1024xf32, #tpu.memory_space<vmem>>) target_semaphore(%arg10 : memref<!tpu.dma_semaphore, #tpu.memory_space<semaphore_mem>>)
        %mul3A_351 = arith.constant 4 : i32
        %mul3A_352 = arith.muli %add3A_334, %mul3A_351 : i32
        %mul3A_353 = arith.constant 8 : i32
        %mul3A_354 = arith.muli %mul3A_352, %mul3A_353 : i32
        %dma_start3A_355 = arith.constant 1 : i32
        %dma_start3A_356 = arith.constant 0 : i32
        %dma_start3A_357 = arith.constant 0 : i32
        %dma_start3A_358 = tpu.memref_slice %arg8[%dma_start3A_355, %dma_start3A_356, %dma_start3A_357] : memref<2x32x1024xf32, #tpu.memory_space<vmem>> -> memref<1x32x1024xf32, #tpu.memory_space<vmem>>
        %dma_start3A_359 = tpu.memref_squeeze %dma_start3A_358 : memref<1x32x1024xf32, #tpu.memory_space<vmem>> -> memref<32x1024xf32, #tpu.memory_space<vmem>>
        %dma_start3A_360 = tpu.memref_slice %arg6[%mul3A_354] : memref<1024xi32, #tpu.memory_space<vmem>> -> memref<32xi32, #tpu.memory_space<vmem>>
        %dma_start3A_361 = arith.constant 0 : i32
        %dma_start3A_362 = arith.constant 0 : i32
        %dma_start3A_363 = tpu.memref_slice %arg3[%dma_start3A_361, %dma_start3A_362] : memref<100000x1024xf32, #tpu.memory_space<hbm>> -> memref<100000x1024xf32, #tpu.memory_space<hbm>>
        tpu.enqueue_indirect_dma source(%dma_start3A_363 : memref<100000x1024xf32, #tpu.memory_space<hbm>>) target(%dma_start3A_359 : memref<32x1024xf32, #tpu.memory_space<vmem>>) offsets(%dma_start3A_360 : memref<32xi32, #tpu.memory_space<vmem>>) semaphore(%arg9 : memref<!tpu.dma_semaphore, #tpu.memory_space<semaphore_mem>>)
      } else {
      }
      %mul3A_117 = arith.constant 8 : i32
      %mul3A_118 = arith.muli %add3A_108, %mul3A_117 : i32
      %add3A_119 = arith.addi %mul3A_2, %mul3A_118 : i32
      %dma_wait3A_120 = arith.constant 0 : i32
      %dma_wait3A_121 = arith.constant 0 : i32
      %dma_wait3A_122 = arith.constant 0 : i32
      %dma_wait3A_123 = tpu.memref_slice %arg7[%dma_wait3A_120, %dma_wait3A_121, %dma_wait3A_122] : memref<2x8x1024xf32, #tpu.memory_space<vmem>> -> memref<1x8x1024xf32, #tpu.memory_space<vmem>>
      %dma_wait3A_124 = tpu.memref_squeeze %dma_wait3A_123 : memref<1x8x1024xf32, #tpu.memory_space<vmem>> -> memref<8x1024xf32, #tpu.memory_space<vmem>>
      %dma_wait3A_125 = arith.constant 0 : i32
      %dma_wait3A_126 = tpu.memref_slice %arg4[%add3A_119, %dma_wait3A_125] : memref<8192x1024xf32, #tpu.memory_space<hbm>> -> memref<8x1024xf32, #tpu.memory_space<hbm>>
      %dma_wait3A_127 = arith.constant 0 : i32
      %dma_wait3A_128 = arith.constant 0 : i32
      %dma_wait3A_129 = tpu.memref_slice %arg7[%dma_wait3A_120, %dma_wait3A_127, %dma_wait3A_128] : memref<2x8x1024xf32, #tpu.memory_space<vmem>> -> memref<1x8x1024xf32, #tpu.memory_space<vmem>>
      %dma_wait3A_130 = tpu.memref_squeeze %dma_wait3A_129 : memref<1x8x1024xf32, #tpu.memory_space<vmem>> -> memref<8x1024xf32, #tpu.memory_space<vmem>>
      %dma_wait3A_131 = arith.constant 0 : i32
      %dma_wait3A_132 = tpu.memref_slice %arg4[%add3A_119, %dma_wait3A_131] : memref<8192x1024xf32, #tpu.memory_space<hbm>> -> memref<8x1024xf32, #tpu.memory_space<hbm>>
      tpu.wait_dma2 semaphore(%arg10 : memref<!tpu.dma_semaphore, #tpu.memory_space<semaphore_mem>>) src(%dma_wait3A_132 : memref<8x1024xf32, #tpu.memory_space<hbm>>) dst(%dma_wait3A_130 : memref<8x1024xf32, #tpu.memory_space<vmem>>)
      %mul3A_133 = arith.constant 4 : i32
      %mul3A_134 = arith.muli %add3A_108, %mul3A_133 : i32
      %mul3A_135 = arith.constant 8 : i32
      %mul3A_136 = arith.muli %mul3A_134, %mul3A_135 : i32
      %dma_wait3A_137 = arith.constant 0 : i32
      %dma_wait3A_138 = arith.constant 0 : i32
      %dma_wait3A_139 = arith.constant 0 : i32
      %dma_wait3A_140 = tpu.memref_slice %arg8[%dma_wait3A_137, %dma_wait3A_138, %dma_wait3A_139] : memref<2x32x1024xf32, #tpu.memory_space<vmem>> -> memref<1x32x1024xf32, #tpu.memory_space<vmem>>
      %dma_wait3A_141 = tpu.memref_squeeze %dma_wait3A_140 : memref<1x32x1024xf32, #tpu.memory_space<vmem>> -> memref<32x1024xf32, #tpu.memory_space<vmem>>
      %dma_wait3A_142 = tpu.memref_slice %arg6[%mul3A_136] : memref<1024xi32, #tpu.memory_space<vmem>> -> memref<32xi32, #tpu.memory_space<vmem>>
      %dma_wait3A_143 = arith.constant 0 : i32
      %dma_wait3A_144 = arith.constant 0 : i32
      %dma_wait3A_145 = tpu.memref_slice %arg3[%dma_wait3A_143, %dma_wait3A_144] : memref<100000x1024xf32, #tpu.memory_space<hbm>> -> memref<100000x1024xf32, #tpu.memory_space<hbm>>
      tpu.wait_indirect_dma semaphore(%arg9 : memref<!tpu.dma_semaphore, #tpu.memory_space<semaphore_mem>>) src(%dma_wait3A_145 : memref<100000x1024xf32, #tpu.memory_space<hbm>>) dst(%dma_wait3A_141 : memref<32x1024xf32, #tpu.memory_space<vmem>>)
      %scan3A_146 = arith.constant 0 : i32
      %scan3A_147 = arith.constant 8 : i32
      %scan3A_148 = arith.addi %scan3A_146, %scan3A_147 : i32
      %scan3A_149 = arith.constant 1 : i32
      scf.for %scan3A_333 = %scan3A_146 to %scan3A_148 step %scan3A_149  : i32 {
        %mul3A_334 = arith.constant 1 : i32
        %mul3A_335 = arith.muli %scan3A_333, %mul3A_334 : i32
        %add3A_336 = arith.constant 0 : i32
        %add3A_337 = arith.addi %add3A_336, %mul3A_335 : i32
        %parallel_loop3A = arith.constant 0 : i32
        %parallel_loop3A_338 = arith.constant 64 : i32
        %parallel_loop3A_339 = arith.constant 1 : i32
        scf.for %parallel_loop3A_340 = %parallel_loop3A to %parallel_loop3A_338 step %parallel_loop3A_339  : i32 {
          %parallel_loop3A_341 = arith.constant 16 : i32
          %parallel_loop3A_342 = arith.muli %parallel_loop3A_340, %parallel_loop3A_341 : i32
          %parallel_loop3A_343 = arith.constant 0 : i32
          %parallel_loop3A_344 = arith.index_cast %parallel_loop3A_343 : i32 to index
          %parallel_loop3A_345 = arith.index_cast %add3A_337 : i32 to index
          %parallel_loop3A_346 = arith.index_cast %parallel_loop3A_342 : i32 to index
          %parallel_loop3A_347 = tpu.vector_load %arg7[%parallel_loop3A_344, %parallel_loop3A_345, %parallel_loop3A_346] {strides = array<i32>} : memref<2x8x1024xf32, #tpu.memory_space<vmem>>, vector<1x1x16xf32>,
          %parallel_loop3A_348 = vector.shape_cast %parallel_loop3A_347 : vector<1x1x16xf32> to vector<16xf32>
          %parallel_loop3A_349 = arith.constant 0 : i32
          %parallel_loop3A_350 = arith.addi %parallel_loop3A_349, %add3A_337 : i32
          %parallel_loop3A_351 = arith.constant 0 : i32
          %parallel_loop3A_352 = arith.index_cast %parallel_loop3A_351 : i32 to index
          %parallel_loop3A_353 = arith.index_cast %parallel_loop3A_350 : i32 to index
          %parallel_loop3A_354 = arith.index_cast %parallel_loop3A_342 : i32 to index
          %parallel_loop3A_355 = tpu.vector_load %arg8[%parallel_loop3A_352, %parallel_loop3A_353, %parallel_loop3A_354] {strides = array<i32>} : memref<2x32x1024xf32, #tpu.memory_space<vmem>>, vector<1x1x16xf32>,
          %parallel_loop3A_356 = vector.shape_cast %parallel_loop3A_355 : vector<1x1x16xf32> to vector<16xf32>
          %parallel_loop3A_357 = arith.constant 3.200000e+01 : f32
          %parallel_loop3A_358 = vector.broadcast %parallel_loop3A_357 : f32 to vector<16xf32>
          %parallel_loop3A_359 = arith.mulf %parallel_loop3A_356, %parallel_loop3A_358 : vector<16xf32>
          %parallel_loop3A_360 = arith.addf %parallel_loop3A_359, %parallel_loop3A_348 : vector<16xf32>
          %parallel_loop3A_361 = arith.constant 0 : i32
          %parallel_loop3A_362 = arith.addi %parallel_loop3A_361, %add3A_337 : i32
          %parallel_loop3A_363 = arith.constant 0 : i32
          %parallel_loop3A_364 = arith.index_cast %parallel_loop3A_363 : i32 to index
          %parallel_loop3A_365 = arith.index_cast %parallel_loop3A_362 : i32 to index
          %parallel_loop3A_366 = arith.index_cast %parallel_loop3A_342 : i32 to index
          %parallel_loop3A_367 = tpu.vector_load %arg8[%parallel_loop3A_364, %parallel_loop3A_365, %parallel_loop3A_366] {strides = array<i32>} : memref<2x32x1024xf32, #tpu.memory_space<vmem>>, vector<1x1x16xf32>,
          %parallel_loop3A_368 = vector.shape_cast %parallel_loop3A_367 : vector<1x1x16xf32> to vector<16xf32>
          %parallel_loop3A_369 = vector.shape_cast %parallel_loop3A_360 : vector<16xf32> to vector<1x1x16xf32>
          tpu.vector_store %arg8[%parallel_loop3A_364, %parallel_loop3A_365, %parallel_loop3A_366], %parallel_loop3A_369 {strides = array<i32>} : memref<2x32x1024xf32, #tpu.memory_space<vmem>>, vector<1x1x16xf32>,
          %parallel_loop3A_370 = arith.constant 8 : i32
          %parallel_loop3A_371 = arith.addi %parallel_loop3A_370, %add3A_337 : i32
          %parallel_loop3A_372 = arith.constant 0 : i32
          %parallel_loop3A_373 = arith.index_cast %parallel_loop3A_372 : i32 to index
          %parallel_loop3A_374 = arith.index_cast %parallel_loop3A_371 : i32 to index
          %parallel_loop3A_375 = arith.index_cast %parallel_loop3A_342 : i32 to index
          %parallel_loop3A_376 = tpu.vector_load %arg8[%parallel_loop3A_373, %parallel_loop3A_374, %parallel_loop3A_375] {strides = array<i32>} : memref<2x32x1024xf32, #tpu.memory_space<vmem>>, vector<1x1x16xf32>,
          %parallel_loop3A_377 = vector.shape_cast %parallel_loop3A_376 : vector<1x1x16xf32> to vector<16xf32>
          %parallel_loop3A_378 = arith.constant 3.200000e+01 : f32
          %parallel_loop3A_379 = vector.broadcast %parallel_loop3A_378 : f32 to vector<16xf32>
          %parallel_loop3A_380 = arith.mulf %parallel_loop3A_377, %parallel_loop3A_379 : vector<16xf32>
          %parallel_loop3A_381 = arith.addf %parallel_loop3A_380, %parallel_loop3A_348 : vector<16xf32>
          %parallel_loop3A_382 = arith.constant 8 : i32
          %parallel_loop3A_383 = arith.addi %parallel_loop3A_382, %add3A_337 : i32
          %parallel_loop3A_384 = arith.constant 0 : i32
          %parallel_loop3A_385 = arith.index_cast %parallel_loop3A_384 : i32 to index
          %parallel_loop3A_386 = arith.index_cast %parallel_loop3A_383 : i32 to index
          %parallel_loop3A_387 = arith.index_cast %parallel_loop3A_342 : i32 to index
          %parallel_loop3A_388 = tpu.vector_load %arg8[%parallel_loop3A_385, %parallel_loop3A_386, %parallel_loop3A_387] {strides = array<i32>} : memref<2x32x1024xf32, #tpu.memory_space<vmem>>, vector<1x1x16xf32>,
          %parallel_loop3A_389 = vector.shape_cast %parallel_loop3A_388 : vector<1x1x16xf32> to vector<16xf32>
          %parallel_loop3A_390 = vector.shape_cast %parallel_loop3A_381 : vector<16xf32> to vector<1x1x16xf32>
          tpu.vector_store %arg8[%parallel_loop3A_385, %parallel_loop3A_386, %parallel_loop3A_387], %parallel_loop3A_390 {strides = array<i32>} : memref<2x32x1024xf32, #tpu.memory_space<vmem>>, vector<1x1x16xf32>,
          %parallel_loop3A_391 = arith.constant 16 : i32
          %parallel_loop3A_392 = arith.addi %parallel_loop3A_391, %add3A_337 : i32
          %parallel_loop3A_393 = arith.constant 0 : i32
          %parallel_loop3A_394 = arith.index_cast %parallel_loop3A_393 : i32 to index
          %parallel_loop3A_395 = arith.index_cast %parallel_loop3A_392 : i32 to index
          %parallel_loop3A_396 = arith.index_cast %parallel_loop3A_342 : i32 to index
          %parallel_loop3A_397 = tpu.vector_load %arg8[%parallel_loop3A_394, %parallel_loop3A_395, %parallel_loop3A_396] {strides = array<i32>} : memref<2x32x1024xf32, #tpu.memory_space<vmem>>, vector<1x1x16xf32>,
          %parallel_loop3A_398 = vector.shape_cast %parallel_loop3A_397 : vector<1x1x16xf32> to vector<16xf32>
          %parallel_loop3A_399 = arith.constant 3.200000e+01 : f32
          %parallel_loop3A_400 = vector.broadcast %parallel_loop3A_399 : f32 to vector<16xf32>
          %parallel_loop3A_401 = arith.mulf %parallel_loop3A_398, %parallel_loop3A_400 : vector<16xf32>
          %parallel_loop3A_402 = arith.addf %parallel_loop3A_401, %parallel_loop3A_348 : vector<16xf32>
          %parallel_loop3A_403 = arith.constant 16 : i32
          %parallel_loop3A_404 = arith.addi %parallel_loop3A_403, %add3A_337 : i32
          %parallel_loop3A_405 = arith.constant 0 : i32
          %parallel_loop3A_406 = arith.index_cast %parallel_loop3A_405 : i32 to index
          %parallel_loop3A_407 = arith.index_cast %parallel_loop3A_404 : i32 to index
          %parallel_loop3A_408 = arith.index_cast %parallel_loop3A_342 : i32 to index
          %parallel_loop3A_409 = tpu.vector_load %arg8[%parallel_loop3A_406, %parallel_loop3A_407, %parallel_loop3A_408] {strides = array<i32>} : memref<2x32x1024xf32, #tpu.memory_space<vmem>>, vector<1x1x16xf32>,
          %parallel_loop3A_410 = vector.shape_cast %parallel_loop3A_409 : vector<1x1x16xf32> to vector<16xf32>
          %parallel_loop3A_411 = vector.shape_cast %parallel_loop3A_402 : vector<16xf32> to vector<1x1x16xf32>
          tpu.vector_store %arg8[%parallel_loop3A_406, %parallel_loop3A_407, %parallel_loop3A_408], %parallel_loop3A_411 {strides = array<i32>} : memref<2x32x1024xf32, #tpu.memory_space<vmem>>, vector<1x1x16xf32>,
          %parallel_loop3A_412 = arith.constant 24 : i32
          %parallel_loop3A_413 = arith.addi %parallel_loop3A_412, %add3A_337 : i32
          %parallel_loop3A_414 = arith.constant 0 : i32
          %parallel_loop3A_415 = arith.index_cast %parallel_loop3A_414 : i32 to index
          %parallel_loop3A_416 = arith.index_cast %parallel_loop3A_413 : i32 to index
          %parallel_loop3A_417 = arith.index_cast %parallel_loop3A_342 : i32 to index
          %parallel_loop3A_418 = tpu.vector_load %arg8[%parallel_loop3A_415, %parallel_loop3A_416, %parallel_loop3A_417] {strides = array<i32>} : memref<2x32x1024xf32, #tpu.memory_space<vmem>>, vector<1x1x16xf32>,
          %parallel_loop3A_419 = vector.shape_cast %parallel_loop3A_418 : vector<1x1x16xf32> to vector<16xf32>
          %parallel_loop3A_420 = arith.constant 3.200000e+01 : f32
          %parallel_loop3A_421 = vector.broadcast %parallel_loop3A_420 : f32 to vector<16xf32>
          %parallel_loop3A_422 = arith.mulf %parallel_loop3A_419, %parallel_loop3A_421 : vector<16xf32>
          %parallel_loop3A_423 = arith.addf %parallel_loop3A_422, %parallel_loop3A_348 : vector<16xf32>
          %parallel_loop3A_424 = arith.constant 24 : i32
          %parallel_loop3A_425 = arith.addi %parallel_loop3A_424, %add3A_337 : i32
          %parallel_loop3A_426 = arith.constant 0 : i32
          %parallel_loop3A_427 = arith.index_cast %parallel_loop3A_426 : i32 to index
          %parallel_loop3A_428 = arith.index_cast %parallel_loop3A_425 : i32 to index
          %parallel_loop3A_429 = arith.index_cast %parallel_loop3A_342 : i32 to index
          %parallel_loop3A_430 = tpu.vector_load %arg8[%parallel_loop3A_427, %parallel_loop3A_428, %parallel_loop3A_429] {strides = array<i32>} : memref<2x32x1024xf32, #tpu.memory_space<vmem>>, vector<1x1x16xf32>,
          %parallel_loop3A_431 = vector.shape_cast %parallel_loop3A_430 : vector<1x1x16xf32> to vector<16xf32>
          %parallel_loop3A_432 = vector.shape_cast %parallel_loop3A_423 : vector<16xf32> to vector<1x1x16xf32>
          tpu.vector_store %arg8[%parallel_loop3A_427, %parallel_loop3A_428, %parallel_loop3A_429], %parallel_loop3A_432 {strides = array<i32>} : memref<2x32x1024xf32, #tpu.memory_space<vmem>>, vector<1x1x16xf32>,
        } {sc.loop_unroll_factor = 8 : i64, sc.parallel_access}
      }
      %scan3A_150 = arith.constant 8 : i32
      %mul3A_151 = arith.constant 8 : i32
      %mul3A_152 = arith.muli %add3A_108, %mul3A_151 : i32
      %add3A_153 = arith.addi %mul3A_2, %mul3A_152 : i32
      %dma_start3A_154 = arith.constant 0 : i32
      %dma_start3A_155 = arith.constant 0 : i32
      %dma_start3A_156 = arith.constant 0 : i32
      %dma_start3A_157 = arith.constant 0 : i32
      %dma_start3A_158 = tpu.memref_slice %arg8[%dma_start3A_154, %dma_start3A_156, %dma_start3A_157] : memref<2x32x1024xf32, #tpu.memory_space<vmem>> -> memref<1x8x1024xf32, #tpu.memory_space<vmem>>
      %dma_start3A_159 = tpu.memref_squeeze %dma_start3A_158 : memref<1x8x1024xf32, #tpu.memory_space<vmem>> -> memref<8x1024xf32, #tpu.memory_space<vmem>>
      %dma_start3A_160 = arith.constant 0 : i32
      %dma_start3A_161 = tpu.memref_slice %arg5[%dma_start3A_155, %add3A_153, %dma_start3A_160] : memref<4x8192x1024xf32, #tpu.memory_space<hbm>> -> memref<1x8x1024xf32, #tpu.memory_space<hbm>>
      %dma_start3A_162 = tpu.memref_squeeze %dma_start3A_161 : memref<1x8x1024xf32, #tpu.memory_space<hbm>> -> memref<8x1024xf32, #tpu.memory_space<hbm>>
      %dma_start3A_163 = arith.constant 0 : i32
      %dma_start3A_164 = tpu.memref_slice %arg5[%dma_start3A_155, %add3A_153, %dma_start3A_163] : memref<4x8192x1024xf32, #tpu.memory_space<hbm>> -> memref<1x8x1024xf32, #tpu.memory_space<hbm>>
      %dma_start3A_165 = tpu.memref_squeeze %dma_start3A_164 : memref<1x8x1024xf32, #tpu.memory_space<hbm>> -> memref<8x1024xf32, #tpu.memory_space<hbm>>
      %dma_start3A_166 = arith.constant 0 : i32
      %dma_start3A_167 = arith.constant 0 : i32
      %dma_start3A_168 = tpu.memref_slice %arg8[%dma_start3A_154, %dma_start3A_166, %dma_start3A_167] : memref<2x32x1024xf32, #tpu.memory_space<vmem>> -> memref<1x8x1024xf32, #tpu.memory_space<vmem>>
      %dma_start3A_169 = tpu.memref_squeeze %dma_start3A_168 : memref<1x8x1024xf32, #tpu.memory_space<vmem>> -> memref<8x1024xf32, #tpu.memory_space<vmem>>
      tpu.enqueue_dma source(%dma_start3A_169 : memref<8x1024xf32, #tpu.memory_space<vmem>>) target(%dma_start3A_165 : memref<8x1024xf32, #tpu.memory_space<hbm>>) target_semaphore(%arg11 : memref<!tpu.dma_semaphore, #tpu.memory_space<semaphore_mem>>)
      %dma_start3A_170 = arith.constant 0 : i32
      %dma_start3A_171 = arith.constant 1 : i32
      %dma_start3A_172 = arith.constant 8 : i32
      %dma_start3A_173 = arith.constant 0 : i32
      %dma_start3A_174 = tpu.memref_slice %arg8[%dma_start3A_170, %dma_start3A_172, %dma_start3A_173] : memref<2x32x1024xf32, #tpu.memory_space<vmem>> -> memref<1x8x1024xf32, #tpu.memory_space<vmem>>
      %dma_start3A_175 = tpu.memref_squeeze %dma_start3A_174 : memref<1x8x1024xf32, #tpu.memory_space<vmem>> -> memref<8x1024xf32, #tpu.memory_space<vmem>>
      %dma_start3A_176 = arith.constant 0 : i32
      %dma_start3A_177 = tpu.memref_slice %arg5[%dma_start3A_171, %add3A_153, %dma_start3A_176] : memref<4x8192x1024xf32, #tpu.memory_space<hbm>> -> memref<1x8x1024xf32, #tpu.memory_space<hbm>>
      %dma_start3A_178 = tpu.memref_squeeze %dma_start3A_177 : memref<1x8x1024xf32, #tpu.memory_space<hbm>> -> memref<8x1024xf32, #tpu.memory_space<hbm>>
      %dma_start3A_179 = arith.constant 0 : i32
      %dma_start3A_180 = tpu.memref_slice %arg5[%dma_start3A_171, %add3A_153, %dma_start3A_179] : memref<4x8192x1024xf32, #tpu.memory_space<hbm>> -> memref<1x8x1024xf32, #tpu.memory_space<hbm>>
      %dma_start3A_181 = tpu.memref_squeeze %dma_start3A_180 : memref<1x8x1024xf32, #tpu.memory_space<hbm>> -> memref<8x1024xf32, #tpu.memory_space<hbm>>
      %dma_start3A_182 = arith.constant 8 : i32
      %dma_start3A_183 = arith.constant 0 : i32
      %dma_start3A_184 = tpu.memref_slice %arg8[%dma_start3A_170, %dma_start3A_182, %dma_start3A_183] : memref<2x32x1024xf32, #tpu.memory_space<vmem>> -> memref<1x8x1024xf32, #tpu.memory_space<vmem>>
      %dma_start3A_185 = tpu.memref_squeeze %dma_start3A_184 : memref<1x8x1024xf32, #tpu.memory_space<vmem>> -> memref<8x1024xf32, #tpu.memory_space<vmem>>
      tpu.enqueue_dma source(%dma_start3A_185 : memref<8x1024xf32, #tpu.memory_space<vmem>>) target(%dma_start3A_181 : memref<8x1024xf32, #tpu.memory_space<hbm>>) target_semaphore(%arg11 : memref<!tpu.dma_semaphore, #tpu.memory_space<semaphore_mem>>)
      %dma_start3A_186 = arith.constant 0 : i32
      %dma_start3A_187 = arith.constant 2 : i32
      %dma_start3A_188 = arith.constant 16 : i32
      %dma_start3A_189 = arith.constant 0 : i32
      %dma_start3A_190 = tpu.memref_slice %arg8[%dma_start3A_186, %dma_start3A_188, %dma_start3A_189] : memref<2x32x1024xf32, #tpu.memory_space<vmem>> -> memref<1x8x1024xf32, #tpu.memory_space<vmem>>
      %dma_start3A_191 = tpu.memref_squeeze %dma_start3A_190 : memref<1x8x1024xf32, #tpu.memory_space<vmem>> -> memref<8x1024xf32, #tpu.memory_space<vmem>>
      %dma_start3A_192 = arith.constant 0 : i32
      %dma_start3A_193 = tpu.memref_slice %arg5[%dma_start3A_187, %add3A_153, %dma_start3A_192] : memref<4x8192x1024xf32, #tpu.memory_space<hbm>> -> memref<1x8x1024xf32, #tpu.memory_space<hbm>>
      %dma_start3A_194 = tpu.memref_squeeze %dma_start3A_193 : memref<1x8x1024xf32, #tpu.memory_space<hbm>> -> memref<8x1024xf32, #tpu.memory_space<hbm>>
      %dma_start3A_195 = arith.constant 0 : i32
      %dma_start3A_196 = tpu.memref_slice %arg5[%dma_start3A_187, %add3A_153, %dma_start3A_195] : memref<4x8192x1024xf32, #tpu.memory_space<hbm>> -> memref<1x8x1024xf32, #tpu.memory_space<hbm>>
      %dma_start3A_197 = tpu.memref_squeeze %dma_start3A_196 : memref<1x8x1024xf32, #tpu.memory_space<hbm>> -> memref<8x1024xf32, #tpu.memory_space<hbm>>
      %dma_start3A_198 = arith.constant 16 : i32
      %dma_start3A_199 = arith.constant 0 : i32
      %dma_start3A_200 = tpu.memref_slice %arg8[%dma_start3A_186, %dma_start3A_198, %dma_start3A_199] : memref<2x32x1024xf32, #tpu.memory_space<vmem>> -> memref<1x8x1024xf32, #tpu.memory_space<vmem>>
      %dma_start3A_201 = tpu.memref_squeeze %dma_start3A_200 : memref<1x8x1024xf32, #tpu.memory_space<vmem>> -> memref<8x1024xf32, #tpu.memory_space<vmem>>
      tpu.enqueue_dma source(%dma_start3A_201 : memref<8x1024xf32, #tpu.memory_space<vmem>>) target(%dma_start3A_197 : memref<8x1024xf32, #tpu.memory_space<hbm>>) target_semaphore(%arg11 : memref<!tpu.dma_semaphore, #tpu.memory_space<semaphore_mem>>)
      %dma_start3A_202 = arith.constant 0 : i32
      %dma_start3A_203 = arith.constant 3 : i32
      %dma_start3A_204 = arith.constant 24 : i32
      %dma_start3A_205 = arith.constant 0 : i32
      %dma_start3A_206 = tpu.memref_slice %arg8[%dma_start3A_202, %dma_start3A_204, %dma_start3A_205] : memref<2x32x1024xf32, #tpu.memory_space<vmem>> -> memref<1x8x1024xf32, #tpu.memory_space<vmem>>
      %dma_start3A_207 = tpu.memref_squeeze %dma_start3A_206 : memref<1x8x1024xf32, #tpu.memory_space<vmem>> -> memref<8x1024xf32, #tpu.memory_space<vmem>>
      %dma_start3A_208 = arith.constant 0 : i32
      %dma_start3A_209 = tpu.memref_slice %arg5[%dma_start3A_203, %add3A_153, %dma_start3A_208] : memref<4x8192x1024xf32, #tpu.memory_space<hbm>> -> memref<1x8x1024xf32, #tpu.memory_space<hbm>>
      %dma_start3A_210 = tpu.memref_squeeze %dma_start3A_209 : memref<1x8x1024xf32, #tpu.memory_space<hbm>> -> memref<8x1024xf32, #tpu.memory_space<hbm>>
      %dma_start3A_211 = arith.constant 0 : i32
      %dma_start3A_212 = tpu.memref_slice %arg5[%dma_start3A_203, %add3A_153, %dma_start3A_211] : memref<4x8192x1024xf32, #tpu.memory_space<hbm>> -> memref<1x8x1024xf32, #tpu.memory_space<hbm>>
      %dma_start3A_213 = tpu.memref_squeeze %dma_start3A_212 : memref<1x8x1024xf32, #tpu.memory_space<hbm>> -> memref<8x1024xf32, #tpu.memory_space<hbm>>
      %dma_start3A_214 = arith.constant 24 : i32
      %dma_start3A_215 = arith.constant 0 : i32
      %dma_start3A_216 = tpu.memref_slice %arg8[%dma_start3A_202, %dma_start3A_214, %dma_start3A_215] : memref<2x32x1024xf32, #tpu.memory_space<vmem>> -> memref<1x8x1024xf32, #tpu.memory_space<vmem>>
      %dma_start3A_217 = tpu.memref_squeeze %dma_start3A_216 : memref<1x8x1024xf32, #tpu.memory_space<vmem>> -> memref<8x1024xf32, #tpu.memory_space<vmem>>
      tpu.enqueue_dma source(%dma_start3A_217 : memref<8x1024xf32, #tpu.memory_space<vmem>>) target(%dma_start3A_213 : memref<8x1024xf32, #tpu.memory_space<hbm>>) target_semaphore(%arg11 : memref<!tpu.dma_semaphore, #tpu.memory_space<semaphore_mem>>)
      %add3A_218 = arith.constant 1 : i32
      %add3A_219 = arith.addi %add3A_106, %add3A_218 : i32
      %ge3A_220 = arith.constant 1 : i32
      %ge3A_221 = arith.cmpi sge, %add3A_219, %ge3A_220 : i32
      %convert_element_type3A_222 = arith.extui %ge3A_221 : i1 to i32
      %cond3A_223 = arith.constant 0 : i32
      %cond3A_224 = arith.cmpi ne, %convert_element_type3A_222, %cond3A_223 : i32
      scf.if %cond3A_224 {
        %dma_wait3A_333 = arith.constant 0 : i32
        %dma_wait3A_334 = arith.constant 0 : i32
        %dma_wait3A_335 = arith.constant 0 : i32
        %dma_wait3A_336 = arith.constant 0 : i32
        %dma_wait3A_337 = tpu.memref_slice %arg8[%dma_wait3A_333, %dma_wait3A_335, %dma_wait3A_336] : memref<2x32x1024xf32, #tpu.memory_space<vmem>> -> memref<1x8x1024xf32, #tpu.memory_space<vmem>>
        %dma_wait3A_338 = tpu.memref_squeeze %dma_wait3A_337 : memref<1x8x1024xf32, #tpu.memory_space<vmem>> -> memref<8x1024xf32, #tpu.memory_space<vmem>>
        %dma_wait3A_339 = arith.constant 0 : i32
        %dma_wait3A_340 = arith.constant 0 : i32
        %dma_wait3A_341 = tpu.memref_slice %arg5[%dma_wait3A_334, %dma_wait3A_339, %dma_wait3A_340] : memref<4x8192x1024xf32, #tpu.memory_space<hbm>> -> memref<1x8x1024xf32, #tpu.memory_space<hbm>>
        %dma_wait3A_342 = tpu.memref_squeeze %dma_wait3A_341 : memref<1x8x1024xf32, #tpu.memory_space<hbm>> -> memref<8x1024xf32, #tpu.memory_space<hbm>>
        %dma_wait3A_343 = arith.constant 0 : i32
        %dma_wait3A_344 = arith.constant 0 : i32
        %dma_wait3A_345 = tpu.memref_slice %arg5[%dma_wait3A_334, %dma_wait3A_343, %dma_wait3A_344] : memref<4x8192x1024xf32, #tpu.memory_space<hbm>> -> memref<1x8x1024xf32, #tpu.memory_space<hbm>>
        %dma_wait3A_346 = tpu.memref_squeeze %dma_wait3A_345 : memref<1x8x1024xf32, #tpu.memory_space<hbm>> -> memref<8x1024xf32, #tpu.memory_space<hbm>>
        %dma_wait3A_347 = arith.constant 0 : i32
        %dma_wait3A_348 = arith.constant 0 : i32
        %dma_wait3A_349 = tpu.memref_slice %arg8[%dma_wait3A_333, %dma_wait3A_347, %dma_wait3A_348] : memref<2x32x1024xf32, #tpu.memory_space<vmem>> -> memref<1x8x1024xf32, #tpu.memory_space<vmem>>
        %dma_wait3A_350 = tpu.memref_squeeze %dma_wait3A_349 : memref<1x8x1024xf32, #tpu.memory_space<vmem>> -> memref<8x1024xf32, #tpu.memory_space<vmem>>
        tpu.wait_dma2 semaphore(%arg11 : memref<!tpu.dma_semaphore, #tpu.memory_space<semaphore_mem>>) src(%dma_wait3A_350 : memref<8x1024xf32, #tpu.memory_space<vmem>>) dst(%dma_wait3A_346 : memref<8x1024xf32, #tpu.memory_space<hbm>>)
        %dma_wait3A_351 = arith.constant 0 : i32
        %dma_wait3A_352 = arith.constant 1 : i32
        %dma_wait3A_353 = arith.constant 8 : i32
        %dma_wait3A_354 = arith.constant 0 : i32
        %dma_wait3A_355 = tpu.memref_slice %arg8[%dma_wait3A_351, %dma_wait3A_353, %dma_wait3A_354] : memref<2x32x1024xf32, #tpu.memory_space<vmem>> -> memref<1x8x1024xf32, #tpu.memory_space<vmem>>
        %dma_wait3A_356 = tpu.memref_squeeze %dma_wait3A_355 : memref<1x8x1024xf32, #tpu.memory_space<vmem>> -> memref<8x1024xf32, #tpu.memory_space<vmem>>
        %dma_wait3A_357 = arith.constant 0 : i32
        %dma_wait3A_358 = arith.constant 0 : i32
        %dma_wait3A_359 = tpu.memref_slice %arg5[%dma_wait3A_352, %dma_wait3A_357, %dma_wait3A_358] : memref<4x8192x1024xf32, #tpu.memory_space<hbm>> -> memref<1x8x1024xf32, #tpu.memory_space<hbm>>
        %dma_wait3A_360 = tpu.memref_squeeze %dma_wait3A_359 : memref<1x8x1024xf32, #tpu.memory_space<hbm>> -> memref<8x1024xf32, #tpu.memory_space<hbm>>
        %dma_wait3A_361 = arith.constant 0 : i32
        %dma_wait3A_362 = arith.constant 0 : i32
        %dma_wait3A_363 = tpu.memref_slice %arg5[%dma_wait3A_352, %dma_wait3A_361, %dma_wait3A_362] : memref<4x8192x1024xf32, #tpu.memory_space<hbm>> -> memref<1x8x1024xf32, #tpu.memory_space<hbm>>
        %dma_wait3A_364 = tpu.memref_squeeze %dma_wait3A_363 : memref<1x8x1024xf32, #tpu.memory_space<hbm>> -> memref<8x1024xf32, #tpu.memory_space<hbm>>
        %dma_wait3A_365 = arith.constant 8 : i32
        %dma_wait3A_366 = arith.constant 0 : i32
        %dma_wait3A_367 = tpu.memref_slice %arg8[%dma_wait3A_351, %dma_wait3A_365, %dma_wait3A_366] : memref<2x32x1024xf32, #tpu.memory_space<vmem>> -> memref<1x8x1024xf32, #tpu.memory_space<vmem>>
        %dma_wait3A_368 = tpu.memref_squeeze %dma_wait3A_367 : memref<1x8x1024xf32, #tpu.memory_space<vmem>> -> memref<8x1024xf32, #tpu.memory_space<vmem>>
        tpu.wait_dma2 semaphore(%arg11 : memref<!tpu.dma_semaphore, #tpu.memory_space<semaphore_mem>>) src(%dma_wait3A_368 : memref<8x1024xf32, #tpu.memory_space<vmem>>) dst(%dma_wait3A_364 : memref<8x1024xf32, #tpu.memory_space<hbm>>)
        %dma_wait3A_369 = arith.constant 0 : i32
        %dma_wait3A_370 = arith.constant 2 : i32
        %dma_wait3A_371 = arith.constant 16 : i32
        %dma_wait3A_372 = arith.constant 0 : i32
        %dma_wait3A_373 = tpu.memref_slice %arg8[%dma_wait3A_369, %dma_wait3A_371, %dma_wait3A_372] : memref<2x32x1024xf32, #tpu.memory_space<vmem>> -> memref<1x8x1024xf32, #tpu.memory_space<vmem>>
        %dma_wait3A_374 = tpu.memref_squeeze %dma_wait3A_373 : memref<1x8x1024xf32, #tpu.memory_space<vmem>> -> memref<8x1024xf32, #tpu.memory_space<vmem>>
        %dma_wait3A_375 = arith.constant 0 : i32
        %dma_wait3A_376 = arith.constant 0 : i32
        %dma_wait3A_377 = tpu.memref_slice %arg5[%dma_wait3A_370, %dma_wait3A_375, %dma_wait3A_376] : memref<4x8192x1024xf32, #tpu.memory_space<hbm>> -> memref<1x8x1024xf32, #tpu.memory_space<hbm>>
        %dma_wait3A_378 = tpu.memref_squeeze %dma_wait3A_377 : memref<1x8x1024xf32, #tpu.memory_space<hbm>> -> memref<8x1024xf32, #tpu.memory_space<hbm>>
        %dma_wait3A_379 = arith.constant 0 : i32
        %dma_wait3A_380 = arith.constant 0 : i32
        %dma_wait3A_381 = tpu.memref_slice %arg5[%dma_wait3A_370, %dma_wait3A_379, %dma_wait3A_380] : memref<4x8192x1024xf32, #tpu.memory_space<hbm>> -> memref<1x8x1024xf32, #tpu.memory_space<hbm>>
        %dma_wait3A_382 = tpu.memref_squeeze %dma_wait3A_381 : memref<1x8x1024xf32, #tpu.memory_space<hbm>> -> memref<8x1024xf32, #tpu.memory_space<hbm>>
        %dma_wait3A_383 = arith.constant 16 : i32
        %dma_wait3A_384 = arith.constant 0 : i32
        %dma_wait3A_385 = tpu.memref_slice %arg8[%dma_wait3A_369, %dma_wait3A_383, %dma_wait3A_384] : memref<2x32x1024xf32, #tpu.memory_space<vmem>> -> memref<1x8x1024xf32, #tpu.memory_space<vmem>>
        %dma_wait3A_386 = tpu.memref_squeeze %dma_wait3A_385 : memref<1x8x1024xf32, #tpu.memory_space<vmem>> -> memref<8x1024xf32, #tpu.memory_space<vmem>>
        tpu.wait_dma2 semaphore(%arg11 : memref<!tpu.dma_semaphore, #tpu.memory_space<semaphore_mem>>) src(%dma_wait3A_386 : memref<8x1024xf32, #tpu.memory_space<vmem>>) dst(%dma_wait3A_382 : memref<8x1024xf32, #tpu.memory_space<hbm>>)
        %dma_wait3A_387 = arith.constant 0 : i32
        %dma_wait3A_388 = arith.constant 3 : i32
        %dma_wait3A_389 = arith.constant 24 : i32
        %dma_wait3A_390 = arith.constant 0 : i32
        %dma_wait3A_391 = tpu.memref_slice %arg8[%dma_wait3A_387, %dma_wait3A_389, %dma_wait3A_390] : memref<2x32x1024xf32, #tpu.memory_space<vmem>> -> memref<1x8x1024xf32, #tpu.memory_space<vmem>>
        %dma_wait3A_392 = tpu.memref_squeeze %dma_wait3A_391 : memref<1x8x1024xf32, #tpu.memory_space<vmem>> -> memref<8x1024xf32, #tpu.memory_space<vmem>>
        %dma_wait3A_393 = arith.constant 0 : i32
        %dma_wait3A_394 = arith.constant 0 : i32
        %dma_wait3A_395 = tpu.memref_slice %arg5[%dma_wait3A_388, %dma_wait3A_393, %dma_wait3A_394] : memref<4x8192x1024xf32, #tpu.memory_space<hbm>> -> memref<1x8x1024xf32, #tpu.memory_space<hbm>>
        %dma_wait3A_396 = tpu.memref_squeeze %dma_wait3A_395 : memref<1x8x1024xf32, #tpu.memory_space<hbm>> -> memref<8x1024xf32, #tpu.memory_space<hbm>>
        %dma_wait3A_397 = arith.constant 0 : i32
        %dma_wait3A_398 = arith.constant 0 : i32
        %dma_wait3A_399 = tpu.memref_slice %arg5[%dma_wait3A_388, %dma_wait3A_397, %dma_wait3A_398] : memref<4x8192x1024xf32, #tpu.memory_space<hbm>> -> memref<1x8x1024xf32, #tpu.memory_space<hbm>>
        %dma_wait3A_400 = tpu.memref_squeeze %dma_wait3A_399 : memref<1x8x1024xf32, #tpu.memory_space<hbm>> -> memref<8x1024xf32, #tpu.memory_space<hbm>>
        %dma_wait3A_401 = arith.constant 24 : i32
        %dma_wait3A_402 = arith.constant 0 : i32
        %dma_wait3A_403 = tpu.memref_slice %arg8[%dma_wait3A_387, %dma_wait3A_401, %dma_wait3A_402] : memref<2x32x1024xf32, #tpu.memory_space<vmem>> -> memref<1x8x1024xf32, #tpu.memory_space<vmem>>
        %dma_wait3A_404 = tpu.memref_squeeze %dma_wait3A_403 : memref<1x8x1024xf32, #tpu.memory_space<vmem>> -> memref<8x1024xf32, #tpu.memory_space<vmem>>
        tpu.wait_dma2 semaphore(%arg11 : memref<!tpu.dma_semaphore, #tpu.memory_space<semaphore_mem>>) src(%dma_wait3A_404 : memref<8x1024xf32, #tpu.memory_space<vmem>>) dst(%dma_wait3A_400 : memref<8x1024xf32, #tpu.memory_space<hbm>>)
      } else {
      }
      %add3A_225 = arith.constant 1 : i32
      %add3A_226 = arith.addi %add3A_219, %add3A_225 : i32
      %lt3A_227 = arith.constant 32 : i32
      %lt3A_228 = arith.cmpi slt, %add3A_226, %lt3A_227 : i32
      %convert_element_type3A_229 = arith.extui %lt3A_228 : i1 to i32
      %cond3A_230 = arith.constant 0 : i32
      %cond3A_231 = arith.cmpi ne, %convert_element_type3A_229, %cond3A_230 : i32
      scf.if %cond3A_231 {
        %add3A_333 = arith.constant 1 : i32
        %add3A_334 = arith.addi %add3A_219, %add3A_333 : i32
        %mul3A_335 = arith.constant 8 : i32
        %mul3A_336 = arith.muli %add3A_334, %mul3A_335 : i32
        %add3A_337 = arith.addi %mul3A_2, %mul3A_336 : i32
        %dma_start3A_338 = arith.constant 0 : i32
        %dma_start3A_339 = arith.constant 0 : i32
        %dma_start3A_340 = arith.constant 0 : i32
        %dma_start3A_341 = tpu.memref_slice %arg7[%dma_start3A_338, %dma_start3A_339, %dma_start3A_340] : memref<2x8x1024xf32, #tpu.memory_space<vmem>> -> memref<1x8x1024xf32, #tpu.memory_space<vmem>>
        %dma_start3A_342 = tpu.memref_squeeze %dma_start3A_341 : memref<1x8x1024xf32, #tpu.memory_space<vmem>> -> memref<8x1024xf32, #tpu.memory_space<vmem>>
        %dma_start3A_343 = arith.constant 0 : i32
        %dma_start3A_344 = tpu.memref_slice %arg4[%add3A_337, %dma_start3A_343] : memref<8192x1024xf32, #tpu.memory_space<hbm>> -> memref<8x1024xf32, #tpu.memory_space<hbm>>
        %dma_start3A_345 = arith.constant 0 : i32
        %dma_start3A_346 = arith.constant 0 : i32
        %dma_start3A_347 = tpu.memref_slice %arg7[%dma_start3A_338, %dma_start3A_345, %dma_start3A_346] : memref<2x8x1024xf32, #tpu.memory_space<vmem>> -> memref<1x8x1024xf32, #tpu.memory_space<vmem>>
        %dma_start3A_348 = tpu.memref_squeeze %dma_start3A_347 : memref<1x8x1024xf32, #tpu.memory_space<vmem>> -> memref<8x1024xf32, #tpu.memory_space<vmem>>
        %dma_start3A_349 = arith.constant 0 : i32
        %dma_start3A_350 = tpu.memref_slice %arg4[%add3A_337, %dma_start3A_349] : memref<8192x1024xf32, #tpu.memory_space<hbm>> -> memref<8x1024xf32, #tpu.memory_space<hbm>>
        tpu.enqueue_dma source(%dma_start3A_350 : memref<8x1024xf32, #tpu.memory_space<hbm>>) target(%dma_start3A_348 : memref<8x1024xf32, #tpu.memory_space<vmem>>) target_semaphore(%arg10 : memref<!tpu.dma_semaphore, #tpu.memory_space<semaphore_mem>>)
        %mul3A_351 = arith.constant 4 : i32
        %mul3A_352 = arith.muli %add3A_334, %mul3A_351 : i32
        %mul3A_353 = arith.constant 8 : i32
        %mul3A_354 = arith.muli %mul3A_352, %mul3A_353 : i32
        %dma_start3A_355 = arith.constant 0 : i32
        %dma_start3A_356 = arith.constant 0 : i32
        %dma_start3A_357 = arith.constant 0 : i32
        %dma_start3A_358 = tpu.memref_slice %arg8[%dma_start3A_355, %dma_start3A_356, %dma_start3A_357] : memref<2x32x1024xf32, #tpu.memory_space<vmem>> -> memref<1x32x1024xf32, #tpu.memory_space<vmem>>
        %dma_start3A_359 = tpu.memref_squeeze %dma_start3A_358 : memref<1x32x1024xf32, #tpu.memory_space<vmem>> -> memref<32x1024xf32, #tpu.memory_space<vmem>>
        %dma_start3A_360 = tpu.memref_slice %arg6[%mul3A_354] : memref<1024xi32, #tpu.memory_space<vmem>> -> memref<32xi32, #tpu.memory_space<vmem>>
        %dma_start3A_361 = arith.constant 0 : i32
        %dma_start3A_362 = arith.constant 0 : i32
        %dma_start3A_363 = tpu.memref_slice %arg3[%dma_start3A_361, %dma_start3A_362] : memref<100000x1024xf32, #tpu.memory_space<hbm>> -> memref<100000x1024xf32, #tpu.memory_space<hbm>>
        tpu.enqueue_indirect_dma source(%dma_start3A_363 : memref<100000x1024xf32, #tpu.memory_space<hbm>>) target(%dma_start3A_359 : memref<32x1024xf32, #tpu.memory_space<vmem>>) offsets(%dma_start3A_360 : memref<32xi32, #tpu.memory_space<vmem>>) semaphore(%arg9 : memref<!tpu.dma_semaphore, #tpu.memory_space<semaphore_mem>>)
      } else {
      }
      %mul3A_232 = arith.constant 8 : i32
      %mul3A_233 = arith.muli %add3A_219, %mul3A_232 : i32
      %add3A_234 = arith.addi %mul3A_2, %mul3A_233 : i32
      %dma_wait3A_235 = arith.constant 1 : i32
      %dma_wait3A_236 = arith.constant 0 : i32
      %dma_wait3A_237 = arith.constant 0 : i32
      %dma_wait3A_238 = tpu.memref_slice %arg7[%dma_wait3A_235, %dma_wait3A_236, %dma_wait3A_237] : memref<2x8x1024xf32, #tpu.memory_space<vmem>> -> memref<1x8x1024xf32, #tpu.memory_space<vmem>>
      %dma_wait3A_239 = tpu.memref_squeeze %dma_wait3A_238 : memref<1x8x1024xf32, #tpu.memory_space<vmem>> -> memref<8x1024xf32, #tpu.memory_space<vmem>>
      %dma_wait3A_240 = arith.constant 0 : i32
      %dma_wait3A_241 = tpu.memref_slice %arg4[%add3A_234, %dma_wait3A_240] : memref<8192x1024xf32, #tpu.memory_space<hbm>> -> memref<8x1024xf32, #tpu.memory_space<hbm>>
      %dma_wait3A_242 = arith.constant 0 : i32
      %dma_wait3A_243 = arith.constant 0 : i32
      %dma_wait3A_244 = tpu.memref_slice %arg7[%dma_wait3A_235, %dma_wait3A_242, %dma_wait3A_243] : memref<2x8x1024xf32, #tpu.memory_space<vmem>> -> memref<1x8x1024xf32, #tpu.memory_space<vmem>>
      %dma_wait3A_245 = tpu.memref_squeeze %dma_wait3A_244 : memref<1x8x1024xf32, #tpu.memory_space<vmem>> -> memref<8x1024xf32, #tpu.memory_space<vmem>>
      %dma_wait3A_246 = arith.constant 0 : i32
      %dma_wait3A_247 = tpu.memref_slice %arg4[%add3A_234, %dma_wait3A_246] : memref<8192x1024xf32, #tpu.memory_space<hbm>> -> memref<8x1024xf32, #tpu.memory_space<hbm>>
      tpu.wait_dma2 semaphore(%arg10 : memref<!tpu.dma_semaphore, #tpu.memory_space<semaphore_mem>>) src(%dma_wait3A_247 : memref<8x1024xf32, #tpu.memory_space<hbm>>) dst(%dma_wait3A_245 : memref<8x1024xf32, #tpu.memory_space<vmem>>)
      %mul3A_248 = arith.constant 4 : i32
      %mul3A_249 = arith.muli %add3A_219, %mul3A_248 : i32
      %mul3A_250 = arith.constant 8 : i32
      %mul3A_251 = arith.muli %mul3A_249, %mul3A_250 : i32
      %dma_wait3A_252 = arith.constant 1 : i32
      %dma_wait3A_253 = arith.constant 0 : i32
      %dma_wait3A_254 = arith.constant 0 : i32
      %dma_wait3A_255 = tpu.memref_slice %arg8[%dma_wait3A_252, %dma_wait3A_253, %dma_wait3A_254] : memref<2x32x1024xf32, #tpu.memory_space<vmem>> -> memref<1x32x1024xf32, #tpu.memory_space<vmem>>
      %dma_wait3A_256 = tpu.memref_squeeze %dma_wait3A_255 : memref<1x32x1024xf32, #tpu.memory_space<vmem>> -> memref<32x1024xf32, #tpu.memory_space<vmem>>
      %dma_wait3A_257 = tpu.memref_slice %arg6[%mul3A_251] : memref<1024xi32, #tpu.memory_space<vmem>> -> memref<32xi32, #tpu.memory_space<vmem>>
      %dma_wait3A_258 = arith.constant 0 : i32
      %dma_wait3A_259 = arith.constant 0 : i32
      %dma_wait3A_260 = tpu.memref_slice %arg3[%dma_wait3A_258, %dma_wait3A_259] : memref<100000x1024xf32, #tpu.memory_space<hbm>> -> memref<100000x1024xf32, #tpu.memory_space<hbm>>
      tpu.wait_indirect_dma semaphore(%arg9 : memref<!tpu.dma_semaphore, #tpu.memory_space<semaphore_mem>>) src(%dma_wait3A_260 : memref<100000x1024xf32, #tpu.memory_space<hbm>>) dst(%dma_wait3A_256 : memref<32x1024xf32, #tpu.memory_space<vmem>>)
      %scan3A_261 = arith.constant 0 : i32
      %scan3A_262 = arith.constant 8 : i32
      %scan3A_263 = arith.addi %scan3A_261, %scan3A_262 : i32
      %scan3A_264 = arith.constant 1 : i32
      scf.for %scan3A_333 = %scan3A_261 to %scan3A_263 step %scan3A_264  : i32 {
        %mul3A_334 = arith.constant 1 : i32
        %mul3A_335 = arith.muli %scan3A_333, %mul3A_334 : i32
        %add3A_336 = arith.constant 0 : i32
        %add3A_337 = arith.addi %add3A_336, %mul3A_335 : i32
        %parallel_loop3A = arith.constant 0 : i32
        %parallel_loop3A_338 = arith.constant 64 : i32
        %parallel_loop3A_339 = arith.constant 1 : i32
        scf.for %parallel_loop3A_340 = %parallel_loop3A to %parallel_loop3A_338 step %parallel_loop3A_339  : i32 {
          %parallel_loop3A_341 = arith.constant 16 : i32
          %parallel_loop3A_342 = arith.muli %parallel_loop3A_340, %parallel_loop3A_341 : i32
          %parallel_loop3A_343 = arith.constant 1 : i32
          %parallel_loop3A_344 = arith.index_cast %parallel_loop3A_343 : i32 to index
          %parallel_loop3A_345 = arith.index_cast %add3A_337 : i32 to index
          %parallel_loop3A_346 = arith.index_cast %parallel_loop3A_342 : i32 to index
          %parallel_loop3A_347 = tpu.vector_load %arg7[%parallel_loop3A_344, %parallel_loop3A_345, %parallel_loop3A_346] {strides = array<i32>} : memref<2x8x1024xf32, #tpu.memory_space<vmem>>, vector<1x1x16xf32>,
          %parallel_loop3A_348 = vector.shape_cast %parallel_loop3A_347 : vector<1x1x16xf32> to vector<16xf32>
          %parallel_loop3A_349 = arith.constant 0 : i32
          %parallel_loop3A_350 = arith.addi %parallel_loop3A_349, %add3A_337 : i32
          %parallel_loop3A_351 = arith.constant 1 : i32
          %parallel_loop3A_352 = arith.index_cast %parallel_loop3A_351 : i32 to index
          %parallel_loop3A_353 = arith.index_cast %parallel_loop3A_350 : i32 to index
          %parallel_loop3A_354 = arith.index_cast %parallel_loop3A_342 : i32 to index
          %parallel_loop3A_355 = tpu.vector_load %arg8[%parallel_loop3A_352, %parallel_loop3A_353, %parallel_loop3A_354] {strides = array<i32>} : memref<2x32x1024xf32, #tpu.memory_space<vmem>>, vector<1x1x16xf32>,
          %parallel_loop3A_356 = vector.shape_cast %parallel_loop3A_355 : vector<1x1x16xf32> to vector<16xf32>
          %parallel_loop3A_357 = arith.constant 3.200000e+01 : f32
          %parallel_loop3A_358 = vector.broadcast %parallel_loop3A_357 : f32 to vector<16xf32>
          %parallel_loop3A_359 = arith.mulf %parallel_loop3A_356, %parallel_loop3A_358 : vector<16xf32>
          %parallel_loop3A_360 = arith.addf %parallel_loop3A_359, %parallel_loop3A_348 : vector<16xf32>
          %parallel_loop3A_361 = arith.constant 0 : i32
          %parallel_loop3A_362 = arith.addi %parallel_loop3A_361, %add3A_337 : i32
          %parallel_loop3A_363 = arith.constant 1 : i32
          %parallel_loop3A_364 = arith.index_cast %parallel_loop3A_363 : i32 to index
          %parallel_loop3A_365 = arith.index_cast %parallel_loop3A_362 : i32 to index
          %parallel_loop3A_366 = arith.index_cast %parallel_loop3A_342 : i32 to index
          %parallel_loop3A_367 = tpu.vector_load %arg8[%parallel_loop3A_364, %parallel_loop3A_365, %parallel_loop3A_366] {strides = array<i32>} : memref<2x32x1024xf32, #tpu.memory_space<vmem>>, vector<1x1x16xf32>,
          %parallel_loop3A_368 = vector.shape_cast %parallel_loop3A_367 : vector<1x1x16xf32> to vector<16xf32>
          %parallel_loop3A_369 = vector.shape_cast %parallel_loop3A_360 : vector<16xf32> to vector<1x1x16xf32>
          tpu.vector_store %arg8[%parallel_loop3A_364, %parallel_loop3A_365, %parallel_loop3A_366], %parallel_loop3A_369 {strides = array<i32>} : memref<2x32x1024xf32, #tpu.memory_space<vmem>>, vector<1x1x16xf32>,
          %parallel_loop3A_370 = arith.constant 8 : i32
          %parallel_loop3A_371 = arith.addi %parallel_loop3A_370, %add3A_337 : i32
          %parallel_loop3A_372 = arith.constant 1 : i32
          %parallel_loop3A_373 = arith.index_cast %parallel_loop3A_372 : i32 to index
          %parallel_loop3A_374 = arith.index_cast %parallel_loop3A_371 : i32 to index
          %parallel_loop3A_375 = arith.index_cast %parallel_loop3A_342 : i32 to index
          %parallel_loop3A_376 = tpu.vector_load %arg8[%parallel_loop3A_373, %parallel_loop3A_374, %parallel_loop3A_375] {strides = array<i32>} : memref<2x32x1024xf32, #tpu.memory_space<vmem>>, vector<1x1x16xf32>,
          %parallel_loop3A_377 = vector.shape_cast %parallel_loop3A_376 : vector<1x1x16xf32> to vector<16xf32>
          %parallel_loop3A_378 = arith.constant 3.200000e+01 : f32
          %parallel_loop3A_379 = vector.broadcast %parallel_loop3A_378 : f32 to vector<16xf32>
          %parallel_loop3A_380 = arith.mulf %parallel_loop3A_377, %parallel_loop3A_379 : vector<16xf32>
          %parallel_loop3A_381 = arith.addf %parallel_loop3A_380, %parallel_loop3A_348 : vector<16xf32>
          %parallel_loop3A_382 = arith.constant 8 : i32
          %parallel_loop3A_383 = arith.addi %parallel_loop3A_382, %add3A_337 : i32
          %parallel_loop3A_384 = arith.constant 1 : i32
          %parallel_loop3A_385 = arith.index_cast %parallel_loop3A_384 : i32 to index
          %parallel_loop3A_386 = arith.index_cast %parallel_loop3A_383 : i32 to index
          %parallel_loop3A_387 = arith.index_cast %parallel_loop3A_342 : i32 to index
          %parallel_loop3A_388 = tpu.vector_load %arg8[%parallel_loop3A_385, %parallel_loop3A_386, %parallel_loop3A_387] {strides = array<i32>} : memref<2x32x1024xf32, #tpu.memory_space<vmem>>, vector<1x1x16xf32>,
          %parallel_loop3A_389 = vector.shape_cast %parallel_loop3A_388 : vector<1x1x16xf32> to vector<16xf32>
          %parallel_loop3A_390 = vector.shape_cast %parallel_loop3A_381 : vector<16xf32> to vector<1x1x16xf32>
          tpu.vector_store %arg8[%parallel_loop3A_385, %parallel_loop3A_386, %parallel_loop3A_387], %parallel_loop3A_390 {strides = array<i32>} : memref<2x32x1024xf32, #tpu.memory_space<vmem>>, vector<1x1x16xf32>,
          %parallel_loop3A_391 = arith.constant 16 : i32
          %parallel_loop3A_392 = arith.addi %parallel_loop3A_391, %add3A_337 : i32
          %parallel_loop3A_393 = arith.constant 1 : i32
          %parallel_loop3A_394 = arith.index_cast %parallel_loop3A_393 : i32 to index
          %parallel_loop3A_395 = arith.index_cast %parallel_loop3A_392 : i32 to index
          %parallel_loop3A_396 = arith.index_cast %parallel_loop3A_342 : i32 to index
          %parallel_loop3A_397 = tpu.vector_load %arg8[%parallel_loop3A_394, %parallel_loop3A_395, %parallel_loop3A_396] {strides = array<i32>} : memref<2x32x1024xf32, #tpu.memory_space<vmem>>, vector<1x1x16xf32>,
          %parallel_loop3A_398 = vector.shape_cast %parallel_loop3A_397 : vector<1x1x16xf32> to vector<16xf32>
          %parallel_loop3A_399 = arith.constant 3.200000e+01 : f32
          %parallel_loop3A_400 = vector.broadcast %parallel_loop3A_399 : f32 to vector<16xf32>
          %parallel_loop3A_401 = arith.mulf %parallel_loop3A_398, %parallel_loop3A_400 : vector<16xf32>
          %parallel_loop3A_402 = arith.addf %parallel_loop3A_401, %parallel_loop3A_348 : vector<16xf32>
          %parallel_loop3A_403 = arith.constant 16 : i32
          %parallel_loop3A_404 = arith.addi %parallel_loop3A_403, %add3A_337 : i32
          %parallel_loop3A_405 = arith.constant 1 : i32
          %parallel_loop3A_406 = arith.index_cast %parallel_loop3A_405 : i32 to index
          %parallel_loop3A_407 = arith.index_cast %parallel_loop3A_404 : i32 to index
          %parallel_loop3A_408 = arith.index_cast %parallel_loop3A_342 : i32 to index
          %parallel_loop3A_409 = tpu.vector_load %arg8[%parallel_loop3A_406, %parallel_loop3A_407, %parallel_loop3A_408] {strides = array<i32>} : memref<2x32x1024xf32, #tpu.memory_space<vmem>>, vector<1x1x16xf32>,
          %parallel_loop3A_410 = vector.shape_cast %parallel_loop3A_409 : vector<1x1x16xf32> to vector<16xf32>
          %parallel_loop3A_411 = vector.shape_cast %parallel_loop3A_402 : vector<16xf32> to vector<1x1x16xf32>
          tpu.vector_store %arg8[%parallel_loop3A_406, %parallel_loop3A_407, %parallel_loop3A_408], %parallel_loop3A_411 {strides = array<i32>} : memref<2x32x1024xf32, #tpu.memory_space<vmem>>, vector<1x1x16xf32>,
          %parallel_loop3A_412 = arith.constant 24 : i32
          %parallel_loop3A_413 = arith.addi %parallel_loop3A_412, %add3A_337 : i32
          %parallel_loop3A_414 = arith.constant 1 : i32
          %parallel_loop3A_415 = arith.index_cast %parallel_loop3A_414 : i32 to index
          %parallel_loop3A_416 = arith.index_cast %parallel_loop3A_413 : i32 to index
          %parallel_loop3A_417 = arith.index_cast %parallel_loop3A_342 : i32 to index
          %parallel_loop3A_418 = tpu.vector_load %arg8[%parallel_loop3A_415, %parallel_loop3A_416, %parallel_loop3A_417] {strides = array<i32>} : memref<2x32x1024xf32, #tpu.memory_space<vmem>>, vector<1x1x16xf32>,
          %parallel_loop3A_419 = vector.shape_cast %parallel_loop3A_418 : vector<1x1x16xf32> to vector<16xf32>
          %parallel_loop3A_420 = arith.constant 3.200000e+01 : f32
          %parallel_loop3A_421 = vector.broadcast %parallel_loop3A_420 : f32 to vector<16xf32>
          %parallel_loop3A_422 = arith.mulf %parallel_loop3A_419, %parallel_loop3A_421 : vector<16xf32>
          %parallel_loop3A_423 = arith.addf %parallel_loop3A_422, %parallel_loop3A_348 : vector<16xf32>
          %parallel_loop3A_424 = arith.constant 24 : i32
          %parallel_loop3A_425 = arith.addi %parallel_loop3A_424, %add3A_337 : i32
          %parallel_loop3A_426 = arith.constant 1 : i32
          %parallel_loop3A_427 = arith.index_cast %parallel_loop3A_426 : i32 to index
          %parallel_loop3A_428 = arith.index_cast %parallel_loop3A_425 : i32 to index
          %parallel_loop3A_429 = arith.index_cast %parallel_loop3A_342 : i32 to index
          %parallel_loop3A_430 = tpu.vector_load %arg8[%parallel_loop3A_427, %parallel_loop3A_428, %parallel_loop3A_429] {strides = array<i32>} : memref<2x32x1024xf32, #tpu.memory_space<vmem>>, vector<1x1x16xf32>,
          %parallel_loop3A_431 = vector.shape_cast %parallel_loop3A_430 : vector<1x1x16xf32> to vector<16xf32>
          %parallel_loop3A_432 = vector.shape_cast %parallel_loop3A_423 : vector<16xf32> to vector<1x1x16xf32>
          tpu.vector_store %arg8[%parallel_loop3A_427, %parallel_loop3A_428, %parallel_loop3A_429], %parallel_loop3A_432 {strides = array<i32>} : memref<2x32x1024xf32, #tpu.memory_space<vmem>>, vector<1x1x16xf32>,
        } {sc.loop_unroll_factor = 8 : i64, sc.parallel_access}
      }
      %scan3A_265 = arith.constant 8 : i32
      %mul3A_266 = arith.constant 8 : i32
      %mul3A_267 = arith.muli %add3A_219, %mul3A_266 : i32
      %add3A_268 = arith.addi %mul3A_2, %mul3A_267 : i32
      %dma_start3A_269 = arith.constant 1 : i32
      %dma_start3A_270 = arith.constant 0 : i32
      %dma_start3A_271 = arith.constant 0 : i32
      %dma_start3A_272 = arith.constant 0 : i32
      %dma_start3A_273 = tpu.memref_slice %arg8[%dma_start3A_269, %dma_start3A_271, %dma_start3A_272] : memref<2x32x1024xf32, #tpu.memory_space<vmem>> -> memref<1x8x1024xf32, #tpu.memory_space<vmem>>
      %dma_start3A_274 = tpu.memref_squeeze %dma_start3A_273 : memref<1x8x1024xf32, #tpu.memory_space<vmem>> -> memref<8x1024xf32, #tpu.memory_space<vmem>>
      %dma_start3A_275 = arith.constant 0 : i32
      %dma_start3A_276 = tpu.memref_slice %arg5[%dma_start3A_270, %add3A_268, %dma_start3A_275] : memref<4x8192x1024xf32, #tpu.memory_space<hbm>> -> memref<1x8x1024xf32, #tpu.memory_space<hbm>>
      %dma_start3A_277 = tpu.memref_squeeze %dma_start3A_276 : memref<1x8x1024xf32, #tpu.memory_space<hbm>> -> memref<8x1024xf32, #tpu.memory_space<hbm>>
      %dma_start3A_278 = arith.constant 0 : i32
      %dma_start3A_279 = tpu.memref_slice %arg5[%dma_start3A_270, %add3A_268, %dma_start3A_278] : memref<4x8192x1024xf32, #tpu.memory_space<hbm>> -> memref<1x8x1024xf32, #tpu.memory_space<hbm>>
      %dma_start3A_280 = tpu.memref_squeeze %dma_start3A_279 : memref<1x8x1024xf32, #tpu.memory_space<hbm>> -> memref<8x1024xf32, #tpu.memory_space<hbm>>
      %dma_start3A_281 = arith.constant 0 : i32
      %dma_start3A_282 = arith.constant 0 : i32
      %dma_start3A_283 = tpu.memref_slice %arg8[%dma_start3A_269, %dma_start3A_281, %dma_start3A_282] : memref<2x32x1024xf32, #tpu.memory_space<vmem>> -> memref<1x8x1024xf32, #tpu.memory_space<vmem>>
      %dma_start3A_284 = tpu.memref_squeeze %dma_start3A_283 : memref<1x8x1024xf32, #tpu.memory_space<vmem>> -> memref<8x1024xf32, #tpu.memory_space<vmem>>
      tpu.enqueue_dma source(%dma_start3A_284 : memref<8x1024xf32, #tpu.memory_space<vmem>>) target(%dma_start3A_280 : memref<8x1024xf32, #tpu.memory_space<hbm>>) target_semaphore(%arg11 : memref<!tpu.dma_semaphore, #tpu.memory_space<semaphore_mem>>)
      %dma_start3A_285 = arith.constant 1 : i32
      %dma_start3A_286 = arith.constant 1 : i32
      %dma_start3A_287 = arith.constant 8 : i32
      %dma_start3A_288 = arith.constant 0 : i32
      %dma_start3A_289 = tpu.memref_slice %arg8[%dma_start3A_285, %dma_start3A_287, %dma_start3A_288] : memref<2x32x1024xf32, #tpu.memory_space<vmem>> -> memref<1x8x1024xf32, #tpu.memory_space<vmem>>
      %dma_start3A_290 = tpu.memref_squeeze %dma_start3A_289 : memref<1x8x1024xf32, #tpu.memory_space<vmem>> -> memref<8x1024xf32, #tpu.memory_space<vmem>>
      %dma_start3A_291 = arith.constant 0 : i32
      %dma_start3A_292 = tpu.memref_slice %arg5[%dma_start3A_286, %add3A_268, %dma_start3A_291] : memref<4x8192x1024xf32, #tpu.memory_space<hbm>> -> memref<1x8x1024xf32, #tpu.memory_space<hbm>>
      %dma_start3A_293 = tpu.memref_squeeze %dma_start3A_292 : memref<1x8x1024xf32, #tpu.memory_space<hbm>> -> memref<8x1024xf32, #tpu.memory_space<hbm>>
      %dma_start3A_294 = arith.constant 0 : i32
      %dma_start3A_295 = tpu.memref_slice %arg5[%dma_start3A_286, %add3A_268, %dma_start3A_294] : memref<4x8192x1024xf32, #tpu.memory_space<hbm>> -> memref<1x8x1024xf32, #tpu.memory_space<hbm>>
      %dma_start3A_296 = tpu.memref_squeeze %dma_start3A_295 : memref<1x8x1024xf32, #tpu.memory_space<hbm>> -> memref<8x1024xf32, #tpu.memory_space<hbm>>
      %dma_start3A_297 = arith.constant 8 : i32
      %dma_start3A_298 = arith.constant 0 : i32
      %dma_start3A_299 = tpu.memref_slice %arg8[%dma_start3A_285, %dma_start3A_297, %dma_start3A_298] : memref<2x32x1024xf32, #tpu.memory_space<vmem>> -> memref<1x8x1024xf32, #tpu.memory_space<vmem>>
      %dma_start3A_300 = tpu.memref_squeeze %dma_start3A_299 : memref<1x8x1024xf32, #tpu.memory_space<vmem>> -> memref<8x1024xf32, #tpu.memory_space<vmem>>
      tpu.enqueue_dma source(%dma_start3A_300 : memref<8x1024xf32, #tpu.memory_space<vmem>>) target(%dma_start3A_296 : memref<8x1024xf32, #tpu.memory_space<hbm>>) target_semaphore(%arg11 : memref<!tpu.dma_semaphore, #tpu.memory_space<semaphore_mem>>)
      %dma_start3A_301 = arith.constant 1 : i32
      %dma_start3A_302 = arith.constant 2 : i32
      %dma_start3A_303 = arith.constant 16 : i32
      %dma_start3A_304 = arith.constant 0 : i32
      %dma_start3A_305 = tpu.memref_slice %arg8[%dma_start3A_301, %dma_start3A_303, %dma_start3A_304] : memref<2x32x1024xf32, #tpu.memory_space<vmem>> -> memref<1x8x1024xf32, #tpu.memory_space<vmem>>
      %dma_start3A_306 = tpu.memref_squeeze %dma_start3A_305 : memref<1x8x1024xf32, #tpu.memory_space<vmem>> -> memref<8x1024xf32, #tpu.memory_space<vmem>>
      %dma_start3A_307 = arith.constant 0 : i32
      %dma_start3A_308 = tpu.memref_slice %arg5[%dma_start3A_302, %add3A_268, %dma_start3A_307] : memref<4x8192x1024xf32, #tpu.memory_space<hbm>> -> memref<1x8x1024xf32, #tpu.memory_space<hbm>>
      %dma_start3A_309 = tpu.memref_squeeze %dma_start3A_308 : memref<1x8x1024xf32, #tpu.memory_space<hbm>> -> memref<8x1024xf32, #tpu.memory_space<hbm>>
      %dma_start3A_310 = arith.constant 0 : i32
      %dma_start3A_311 = tpu.memref_slice %arg5[%dma_start3A_302, %add3A_268, %dma_start3A_310] : memref<4x8192x1024xf32, #tpu.memory_space<hbm>> -> memref<1x8x1024xf32, #tpu.memory_space<hbm>>
      %dma_start3A_312 = tpu.memref_squeeze %dma_start3A_311 : memref<1x8x1024xf32, #tpu.memory_space<hbm>> -> memref<8x1024xf32, #tpu.memory_space<hbm>>
      %dma_start3A_313 = arith.constant 16 : i32
      %dma_start3A_314 = arith.constant 0 : i32
      %dma_start3A_315 = tpu.memref_slice %arg8[%dma_start3A_301, %dma_start3A_313, %dma_start3A_314] : memref<2x32x1024xf32, #tpu.memory_space<vmem>> -> memref<1x8x1024xf32, #tpu.memory_space<vmem>>
      %dma_start3A_316 = tpu.memref_squeeze %dma_start3A_315 : memref<1x8x1024xf32, #tpu.memory_space<vmem>> -> memref<8x1024xf32, #tpu.memory_space<vmem>>
      tpu.enqueue_dma source(%dma_start3A_316 : memref<8x1024xf32, #tpu.memory_space<vmem>>) target(%dma_start3A_312 : memref<8x1024xf32, #tpu.memory_space<hbm>>) target_semaphore(%arg11 : memref<!tpu.dma_semaphore, #tpu.memory_space<semaphore_mem>>)
      %dma_start3A_317 = arith.constant 1 : i32
      %dma_start3A_318 = arith.constant 3 : i32
      %dma_start3A_319 = arith.constant 24 : i32
      %dma_start3A_320 = arith.constant 0 : i32
      %dma_start3A_321 = tpu.memref_slice %arg8[%dma_start3A_317, %dma_start3A_319, %dma_start3A_320] : memref<2x32x1024xf32, #tpu.memory_space<vmem>> -> memref<1x8x1024xf32, #tpu.memory_space<vmem>>
      %dma_start3A_322 = tpu.memref_squeeze %dma_start3A_321 : memref<1x8x1024xf32, #tpu.memory_space<vmem>> -> memref<8x1024xf32, #tpu.memory_space<vmem>>
      %dma_start3A_323 = arith.constant 0 : i32
      %dma_start3A_324 = tpu.memref_slice %arg5[%dma_start3A_318, %add3A_268, %dma_start3A_323] : memref<4x8192x1024xf32, #tpu.memory_space<hbm>> -> memref<1x8x1024xf32, #tpu.memory_space<hbm>>
      %dma_start3A_325 = tpu.memref_squeeze %dma_start3A_324 : memref<1x8x1024xf32, #tpu.memory_space<hbm>> -> memref<8x1024xf32, #tpu.memory_space<hbm>>
      %dma_start3A_326 = arith.constant 0 : i32
      %dma_start3A_327 = tpu.memref_slice %arg5[%dma_start3A_318, %add3A_268, %dma_start3A_326] : memref<4x8192x1024xf32, #tpu.memory_space<hbm>> -> memref<1x8x1024xf32, #tpu.memory_space<hbm>>
      %dma_start3A_328 = tpu.memref_squeeze %dma_start3A_327 : memref<1x8x1024xf32, #tpu.memory_space<hbm>> -> memref<8x1024xf32, #tpu.memory_space<hbm>>
      %dma_start3A_329 = arith.constant 24 : i32
      %dma_start3A_330 = arith.constant 0 : i32
      %dma_start3A_331 = tpu.memref_slice %arg8[%dma_start3A_317, %dma_start3A_329, %dma_start3A_330] : memref<2x32x1024xf32, #tpu.memory_space<vmem>> -> memref<1x8x1024xf32, #tpu.memory_space<vmem>>
      %dma_start3A_332 = tpu.memref_squeeze %dma_start3A_331 : memref<1x8x1024xf32, #tpu.memory_space<vmem>> -> memref<8x1024xf32, #tpu.memory_space<vmem>>
      tpu.enqueue_dma source(%dma_start3A_332 : memref<8x1024xf32, #tpu.memory_space<vmem>>) target(%dma_start3A_328 : memref<8x1024xf32, #tpu.memory_space<hbm>>) target_semaphore(%arg11 : memref<!tpu.dma_semaphore, #tpu.memory_space<semaphore_mem>>)
    }
    %scan3A_30 = arith.constant 16 : i32
    %dma_wait3A = arith.constant 0 : i32
    %dma_wait3A_31 = arith.constant 0 : i32
    %dma_wait3A_32 = arith.constant 0 : i32
    %dma_wait3A_33 = arith.constant 0 : i32
    %dma_wait3A_34 = tpu.memref_slice %arg8[%dma_wait3A, %dma_wait3A_32, %dma_wait3A_33] : memref<2x32x1024xf32, #tpu.memory_space<vmem>> -> memref<1x8x1024xf32, #tpu.memory_space<vmem>>
    %dma_wait3A_35 = tpu.memref_squeeze %dma_wait3A_34 : memref<1x8x1024xf32, #tpu.memory_space<vmem>> -> memref<8x1024xf32, #tpu.memory_space<vmem>>
    %dma_wait3A_36 = arith.constant 0 : i32
    %dma_wait3A_37 = arith.constant 0 : i32
    %dma_wait3A_38 = tpu.memref_slice %arg5[%dma_wait3A_31, %dma_wait3A_36, %dma_wait3A_37] : memref<4x8192x1024xf32, #tpu.memory_space<hbm>> -> memref<1x8x1024xf32, #tpu.memory_space<hbm>>
    %dma_wait3A_39 = tpu.memref_squeeze %dma_wait3A_38 : memref<1x8x1024xf32, #tpu.memory_space<hbm>> -> memref<8x1024xf32, #tpu.memory_space<hbm>>
    %dma_wait3A_40 = arith.constant 0 : i32
    %dma_wait3A_41 = arith.constant 0 : i32
    %dma_wait3A_42 = tpu.memref_slice %arg5[%dma_wait3A_31, %dma_wait3A_40, %dma_wait3A_41] : memref<4x8192x1024xf32, #tpu.memory_space<hbm>> -> memref<1x8x1024xf32, #tpu.memory_space<hbm>>
    %dma_wait3A_43 = tpu.memref_squeeze %dma_wait3A_42 : memref<1x8x1024xf32, #tpu.memory_space<hbm>> -> memref<8x1024xf32, #tpu.memory_space<hbm>>
    %dma_wait3A_44 = arith.constant 0 : i32
    %dma_wait3A_45 = arith.constant 0 : i32
    %dma_wait3A_46 = tpu.memref_slice %arg8[%dma_wait3A, %dma_wait3A_44, %dma_wait3A_45] : memref<2x32x1024xf32, #tpu.memory_space<vmem>> -> memref<1x8x1024xf32, #tpu.memory_space<vmem>>
    %dma_wait3A_47 = tpu.memref_squeeze %dma_wait3A_46 : memref<1x8x1024xf32, #tpu.memory_space<vmem>> -> memref<8x1024xf32, #tpu.memory_space<vmem>>
    tpu.wait_dma2 semaphore(%arg11 : memref<!tpu.dma_semaphore, #tpu.memory_space<semaphore_mem>>) src(%dma_wait3A_47 : memref<8x1024xf32, #tpu.memory_space<vmem>>) dst(%dma_wait3A_43 : memref<8x1024xf32, #tpu.memory_space<hbm>>)
    %dma_wait3A_48 = arith.constant 0 : i32
    %dma_wait3A_49 = arith.constant 1 : i32
    %dma_wait3A_50 = arith.constant 8 : i32
    %dma_wait3A_51 = arith.constant 0 : i32
    %dma_wait3A_52 = tpu.memref_slice %arg8[%dma_wait3A_48, %dma_wait3A_50, %dma_wait3A_51] : memref<2x32x1024xf32, #tpu.memory_space<vmem>> -> memref<1x8x1024xf32, #tpu.memory_space<vmem>>
    %dma_wait3A_53 = tpu.memref_squeeze %dma_wait3A_52 : memref<1x8x1024xf32, #tpu.memory_space<vmem>> -> memref<8x1024xf32, #tpu.memory_space<vmem>>
    %dma_wait3A_54 = arith.constant 0 : i32
    %dma_wait3A_55 = arith.constant 0 : i32
    %dma_wait3A_56 = tpu.memref_slice %arg5[%dma_wait3A_49, %dma_wait3A_54, %dma_wait3A_55] : memref<4x8192x1024xf32, #tpu.memory_space<hbm>> -> memref<1x8x1024xf32, #tpu.memory_space<hbm>>
    %dma_wait3A_57 = tpu.memref_squeeze %dma_wait3A_56 : memref<1x8x1024xf32, #tpu.memory_space<hbm>> -> memref<8x1024xf32, #tpu.memory_space<hbm>>
    %dma_wait3A_58 = arith.constant 0 : i32
    %dma_wait3A_59 = arith.constant 0 : i32
    %dma_wait3A_60 = tpu.memref_slice %arg5[%dma_wait3A_49, %dma_wait3A_58, %dma_wait3A_59] : memref<4x8192x1024xf32, #tpu.memory_space<hbm>> -> memref<1x8x1024xf32, #tpu.memory_space<hbm>>
    %dma_wait3A_61 = tpu.memref_squeeze %dma_wait3A_60 : memref<1x8x1024xf32, #tpu.memory_space<hbm>> -> memref<8x1024xf32, #tpu.memory_space<hbm>>
    %dma_wait3A_62 = arith.constant 8 : i32
    %dma_wait3A_63 = arith.constant 0 : i32
    %dma_wait3A_64 = tpu.memref_slice %arg8[%dma_wait3A_48, %dma_wait3A_62, %dma_wait3A_63] : memref<2x32x1024xf32, #tpu.memory_space<vmem>> -> memref<1x8x1024xf32, #tpu.memory_space<vmem>>
    %dma_wait3A_65 = tpu.memref_squeeze %dma_wait3A_64 : memref<1x8x1024xf32, #tpu.memory_space<vmem>> -> memref<8x1024xf32, #tpu.memory_space<vmem>>
    tpu.wait_dma2 semaphore(%arg11 : memref<!tpu.dma_semaphore, #tpu.memory_space<semaphore_mem>>) src(%dma_wait3A_65 : memref<8x1024xf32, #tpu.memory_space<vmem>>) dst(%dma_wait3A_61 : memref<8x1024xf32, #tpu.memory_space<hbm>>)
    %dma_wait3A_66 = arith.constant 0 : i32
    %dma_wait3A_67 = arith.constant 2 : i32
    %dma_wait3A_68 = arith.constant 16 : i32
    %dma_wait3A_69 = arith.constant 0 : i32
    %dma_wait3A_70 = tpu.memref_slice %arg8[%dma_wait3A_66, %dma_wait3A_68, %dma_wait3A_69] : memref<2x32x1024xf32, #tpu.memory_space<vmem>> -> memref<1x8x1024xf32, #tpu.memory_space<vmem>>
    %dma_wait3A_71 = tpu.memref_squeeze %dma_wait3A_70 : memref<1x8x1024xf32, #tpu.memory_space<vmem>> -> memref<8x1024xf32, #tpu.memory_space<vmem>>
    %dma_wait3A_72 = arith.constant 0 : i32
    %dma_wait3A_73 = arith.constant 0 : i32
    %dma_wait3A_74 = tpu.memref_slice %arg5[%dma_wait3A_67, %dma_wait3A_72, %dma_wait3A_73] : memref<4x8192x1024xf32, #tpu.memory_space<hbm>> -> memref<1x8x1024xf32, #tpu.memory_space<hbm>>
    %dma_wait3A_75 = tpu.memref_squeeze %dma_wait3A_74 : memref<1x8x1024xf32, #tpu.memory_space<hbm>> -> memref<8x1024xf32, #tpu.memory_space<hbm>>
    %dma_wait3A_76 = arith.constant 0 : i32
    %dma_wait3A_77 = arith.constant 0 : i32
    %dma_wait3A_78 = tpu.memref_slice %arg5[%dma_wait3A_67, %dma_wait3A_76, %dma_wait3A_77] : memref<4x8192x1024xf32, #tpu.memory_space<hbm>> -> memref<1x8x1024xf32, #tpu.memory_space<hbm>>
    %dma_wait3A_79 = tpu.memref_squeeze %dma_wait3A_78 : memref<1x8x1024xf32, #tpu.memory_space<hbm>> -> memref<8x1024xf32, #tpu.memory_space<hbm>>
    %dma_wait3A_80 = arith.constant 16 : i32
    %dma_wait3A_81 = arith.constant 0 : i32
    %dma_wait3A_82 = tpu.memref_slice %arg8[%dma_wait3A_66, %dma_wait3A_80, %dma_wait3A_81] : memref<2x32x1024xf32, #tpu.memory_space<vmem>> -> memref<1x8x1024xf32, #tpu.memory_space<vmem>>
    %dma_wait3A_83 = tpu.memref_squeeze %dma_wait3A_82 : memref<1x8x1024xf32, #tpu.memory_space<vmem>> -> memref<8x1024xf32, #tpu.memory_space<vmem>>
    tpu.wait_dma2 semaphore(%arg11 : memref<!tpu.dma_semaphore, #tpu.memory_space<semaphore_mem>>) src(%dma_wait3A_83 : memref<8x1024xf32, #tpu.memory_space<vmem>>) dst(%dma_wait3A_79 : memref<8x1024xf32, #tpu.memory_space<hbm>>)
    %dma_wait3A_84 = arith.constant 0 : i32
    %dma_wait3A_85 = arith.constant 3 : i32
    %dma_wait3A_86 = arith.constant 24 : i32
    %dma_wait3A_87 = arith.constant 0 : i32
    %dma_wait3A_88 = tpu.memref_slice %arg8[%dma_wait3A_84, %dma_wait3A_86, %dma_wait3A_87] : memref<2x32x1024xf32, #tpu.memory_space<vmem>> -> memref<1x8x1024xf32, #tpu.memory_space<vmem>>
    %dma_wait3A_89 = tpu.memref_squeeze %dma_wait3A_88 : memref<1x8x1024xf32, #tpu.memory_space<vmem>> -> memref<8x1024xf32, #tpu.memory_space<vmem>>
    %dma_wait3A_90 = arith.constant 0 : i32
    %dma_wait3A_91 = arith.constant 0 : i32
    %dma_wait3A_92 = tpu.memref_slice %arg5[%dma_wait3A_85, %dma_wait3A_90, %dma_wait3A_91] : memref<4x8192x1024xf32, #tpu.memory_space<hbm>> -> memref<1x8x1024xf32, #tpu.memory_space<hbm>>
    %dma_wait3A_93 = tpu.memref_squeeze %dma_wait3A_92 : memref<1x8x1024xf32, #tpu.memory_space<hbm>> -> memref<8x1024xf32, #tpu.memory_space<hbm>>
    %dma_wait3A_94 = arith.constant 0 : i32
    %dma_wait3A_95 = arith.constant 0 : i32
    %dma_wait3A_96 = tpu.memref_slice %arg5[%dma_wait3A_85, %dma_wait3A_94, %dma_wait3A_95] : memref<4x8192x1024xf32, #tpu.memory_space<hbm>> -> memref<1x8x1024xf32, #tpu.memory_space<hbm>>
    %dma_wait3A_97 = tpu.memref_squeeze %dma_wait3A_96 : memref<1x8x1024xf32, #tpu.memory_space<hbm>> -> memref<8x1024xf32, #tpu.memory_space<hbm>>
    %dma_wait3A_98 = arith.constant 24 : i32
    %dma_wait3A_99 = arith.constant 0 : i32
    %dma_wait3A_100 = tpu.memref_slice %arg8[%dma_wait3A_84, %dma_wait3A_98, %dma_wait3A_99] : memref<2x32x1024xf32, #tpu.memory_space<vmem>> -> memref<1x8x1024xf32, #tpu.memory_space<vmem>>
    %dma_wait3A_101 = tpu.memref_squeeze %dma_wait3A_100 : memref<1x8x1024xf32, #tpu.memory_space<vmem>> -> memref<8x1024xf32, #tpu.memory_space<vmem>>
    tpu.wait_dma2 semaphore(%arg11 : memref<!tpu.dma_semaphore, #tpu.memory_space<semaphore_mem>>) src(%dma_wait3A_101 : memref<8x1024xf32, #tpu.memory_space<vmem>>) dst(%dma_wait3A_97 : memref<8x1024xf32, #tpu.memory_space<hbm>>)
    return
  }
}

</mosaic_0001>

<sc_bundles>
// kernel: kernel.3.cloned.1.call-start
scs
__scs_entry_jumppad:
0x0: {  	(pc) =	sbr.rel $0x88, $3  }
0x1: {  	(tag) =	ssettag $0x0;
	lr =	simm.s32 $0x1  }
0x2: {  	[smem:$0x3F9E] =	sst lr;
	_ =	strace $0xD0000000  }
0x3: {  	_ = 	snop  }
0x4: {  	_ = 	snop  }
0x5: {  	_ = 	snop  }
0x6: {  	_ = 	snop  }
0x7: {  	_ = 	snop  }
__scs_overlays_trampoline_lowered:
0x8: {  	[smem:$0x3FAD] =	sst s0  }
0x9: {  	[smem:$0x3FAE] =	sst s1  }
0xa: {  	[smem:$0x3FAF] =	sst s2  }
0xb: {  	[smem:$0x3FB0] =	sst s3  }
0xc: {  	[smem:$0x3FB1] =	sst s4  }
0xd: {  	[smem:$0x3FB2] =	sst s5  }
0xe: {  	[smem:$0x3FB3] =	sst s6  }
0xf: {  	[smem:$0x3FB4] =	sst s7  }
0x10: {  	[smem:$0x3FB5] =	sst s8  }
0x11: {  	[smem:$0x3FB6] =	sst s9;
	s0 =	simm.s32 @!p0 $0x0  }
0x12: {  	s1 =	sld [smem:$0x3F9C];
	s0 =	simm.s32 @p0 $0x1  }
0x13: {  	[smem:$0x3FB7] =	sst s0;
	s0 =	simm.s32 @!p1 $0x0  }
0x14: {  	s2 =	sld [smem:$0x3F9B];
	s0 =	simm.s32 @p1 $0x1  }
0x15: {  	[smem:$0x3FB8] =	sst s0;
	s0 =	simm.s32 @!p2 $0x0  }
0x16: {  	s3 =	sld [smem:$0x3FDB];
	s0 =	simm.s32 @p2 $0x1  }
0x17: {  	s4 =	simm.s32 $0x1BF5;
	[smem:$0x3FBA] =	sst s0  }
0x18: {  	s0 =	sld [smem:$0x3F9D];
	_ =	swait.ge [sflag:s4], $0x0  }
0x19: {  	s7 =	sld [smem:$0x3F9E]  }
0x1a: {  	s8 =	sadd.s32 $0xFFFFE003, lr  }
0x1b: {  	s9 =	sadd.s32 $0xFFFFFEF7, lr;
	s5 =	simm.s32 $0xFFFFFFFF;
	p2 =	slt.u32 s8, $0xFFFFF086  }
0x1c: {  	p1 =	slt.u32 s9, $0xF7A;
	s5 =	simm.s32 @!p2 $0x0  }
0x1d: {  	s5 =	simm.s32 @p1 $0x1;
	p0 =	seq.s32 s7, s2  }
0x1e: {  	s7 =	smul.u32 @!p0 $0xF7A, s2;
	p2 =	seq.s32 @!p0 s5, $0x0  }
0x1f: {  	s9 =	smul.u32 $0xF7A, s1;
	s8 =	simm.s32 @!p0 $0x1BF5;
	p2 =	por !p2, p0  }
0x20: {  	[sflag:s8] =	ssyncset.s32 @!p0 $0xFFFFF086;
	s6 =	sadd.s32 @!p0 s3, s7;
	s7 =	simm.s32 @!p0 $0x108  }
0x21: {  	s3 =	sadd.s32 s3, s9;
	s6 =	sadd.s32 @!p0 $0x88, s6;
	s7 =	simm.s32 @p2 $0x1082  }
0x22: {  	[simem:s7], [sflag:s8] =	dma.local @!p0 [hbm:s6], $0xF7A  }
0x23: {  	s9 =	sor.u32 $0xD0000000, s2;
	s6 =	simm.s32 $0x108;
	_ =	swait.ge @!p0 [sflag:s8], $0x0  }
0x24: {  	s3 =	sadd.s32 $0x88, s3;
	s6 =	simm.s32 @!p1 $0x1082;
	[sflag:s4] =	ssyncset.s32 $0xFFFFF086  }
0x25: {  	[simem:s6], [sflag:s4] =	dma.local [hbm:s3], $0xF7A  }
0x26: {  	[smem:$0x3F9E] =	sst s1;
	(tag) =	ssettag s2;
	_ =	strace s9  }
0x27: {  	s1 =	sld [smem:$0x3FAE]  }
0x28: {  	s2 =	sld [smem:$0x3FAF]  }
0x29: {  	s4 =	sld [smem:$0x3FB1]  }
0x2a: {  	p0 =	seq.s32 s5, $0x0;
	s5 =	sld [smem:$0x3FB2]  }
0x2b: {  	s6 =	sld [smem:$0x3FB3]  }
0x2c: {  	s7 =	sld [smem:$0x3FB4]  }
0x2d: {  	s3 =	simm.s32 $0x108;
	s8 =	sld [smem:$0x3FB5]  }
0x2e: {  	s3 =	simm.s32 @!p0 $0x1082;
	s9 =	sld [smem:$0x3FB6]  }
0x2f: {  	lr =	sadd.s32 s0, s3;
	s0 =	sld [smem:$0x3FAD]  }
0x30: {  	s3 =	sld [smem:$0x3FB0]  }
0x31: {  	[smem:$0x3FB9] =	sst s10  }
0x32: {  	s10 =	sld [smem:$0x3FB7];
	_ =	sdelay $0x3  }
0x33: {  	p0 =	seq.s32 s10, $0x1;
	s10 =	sld [smem:$0x3FB9];
	_ =	sdelay $0x3  }
0x34: {  	[smem:$0x3FB9] =	sst s10  }
0x35: {  	s10 =	sld [smem:$0x3FB8];
	_ =	sdelay $0x3  }
0x36: {  	p1 =	seq.s32 s10, $0x1;
	s10 =	sld [smem:$0x3FB9];
	_ =	sdelay $0x3  }
0x37: {  	[smem:$0x3FB9] =	sst s10  }
0x38: {  	s10 =	sld [smem:$0x3FBA]  }
0x39: {  	_ = 	snop;
	(pc) =	sbr.ind lr, $3  }
0x3a: {  	_ = 	snop  }
0x3b: {  	_ = 	snop  }
0x3c: {  	p2 =	seq.s32 s10, $0x1;
	s10 =	sld [smem:$0x3FB9]  }
0x3d: {  	_ =	shalt  }
0x3e: {  	_ =	shalt  }
0x3f: {  	_ =	shalt  }
0x40: {  	_ =	shalt  }
0x41: {  	_ =	shalt  }
0x42: {  	_ =	shalt  }
0x43: {  	_ =	shalt  }
0x44: {  	_ =	shalt  }
0x45: {  	_ =	shalt  }
0x46: {  	_ =	shalt  }
0x47: {  	_ =	shalt  }
0x48: {  	_ =	shalt  }
0x49: {  	_ =	shalt  }
0x4a: {  	_ =	shalt  }
0x4b: {  	_ =	shalt  }
0x4c: {  	_ =	shalt  }
0x4d: {  	_ =	shalt  }
0x4e: {  	_ =	shalt  }
0x4f: {  	_ =	shalt  }
0x50: {  	_ =	shalt  }
0x51: {  	_ =	shalt  }
0x52: {  	_ =	shalt  }
0x53: {  	_ =	shalt  }
0x54: {  	_ =	shalt  }
0x55: {  	_ =	shalt  }
0x56: {  	_ =	shalt  }
0x57: {  	_ =	shalt  }
0x58: {  	_ =	shalt  }
0x59: {  	_ =	shalt  }
0x5a: {  	_ =	shalt  }
0x5b: {  	_ =	shalt  }
0x5c: {  	_ =	shalt  }
0x5d: {  	_ =	shalt  }
0x5e: {  	_ =	shalt  }
0x5f: {  	_ =	shalt  }
0x60: {  	_ =	shalt  }
0x61: {  	_ =	shalt  }
0x62: {  	_ =	shalt  }
0x63: {  	_ =	shalt  }
0x64: {  	_ =	shalt  }
0x65: {  	_ =	shalt  }
0x66: {  	_ =	shalt  }
0x67: {  	_ =	shalt  }
0x68: {  	_ =	shalt  }
0x69: {  	_ =	shalt  }
0x6a: {  	_ =	shalt  }
0x6b: {  	_ =	shalt  }
0x6c: {  	_ =	shalt  }
0x6d: {  	_ =	shalt  }
0x6e: {  	_ =	shalt  }
0x6f: {  	_ =	shalt  }
0x70: {  	_ =	shalt  }
0x71: {  	_ =	shalt  }
0x72: {  	_ =	shalt  }
0x73: {  	_ =	shalt  }
0x74: {  	_ =	shalt  }
0x75: {  	_ =	shalt  }
0x76: {  	_ =	shalt  }
0x77: {  	_ =	shalt  }
0x78: {  	_ =	shalt  }
0x79: {  	_ =	shalt  }
0x7a: {  	_ =	shalt  }
0x7b: {  	_ =	shalt  }
0x7c: {  	_ =	shalt  }
0x7d: {  	_ =	shalt  }
0x7e: {  	_ =	shalt  }
0x7f: {  	_ =	shalt  }
0x80: {  	_ =	shalt  }
0x81: {  	_ =	shalt  }
0x82: {  	_ =	shalt  }
0x83: {  	_ =	shalt  }
0x84: {  	_ =	shalt  }
0x85: {  	_ =	shalt  }
0x86: {  	_ =	shalt  }
0x87: {  	_ =	shalt  }
.Lfunc_end0:
.L_simem_size_0:
called_computation_lowered:
.L_overlay_start_0:
0x88: {  	s2 =	sld [smem:$0x3FD9]  }
0x89: {  	s3 =	sld [smem:$0x3FFE];
	_ =	sdelay $0x1  }
0x8a: {  	s1 =	srdreg.scid  }
0x8b: {  	s0 =	sand.u32 $0x1, s1  }
0x8c: {  	s17 =	sshll.u32 s0, $0xA;
	s2 =	sadd.s32 s3, s2  }
0x8d: {  	s2 =	sadd.s32 s2, s17  }
0x8e: {  	[smem:$0x3FC5] =	sst s2  }
0x8f: {  	_ = 	snop  }
0x90: {  	s2 =	sld [smem:$0x3FC8]  }
0x91: {  	s18 =	sld [smem:$0x3FC7]  }
0x92: {  	s4 =	sld [smem:$0x3FD0];
	(tm) =	ssettm $0x1  }
0x93: {  	s5 =	sld [smem:$0x3FFB];
	_ =	sdelay $0x3  }
0x94: {  	_ =	strace s5  }
0x95: {  	s5 =	sld [smem:$0x3FFC];
	_ =	sdelay $0x3  }
0x96: {  	_ =	strace s5  }
0x97: {  	s5 =	sld [smem:$0x3FFD];
	_ =	sdelay $0x3  }
0x98: {  	_ =	strace s5  }
0x99: {  	_ =	strace $0x8FFFFFFF  }
0x9a: {  	s19 =	sld [smem:$0x3FDB];
	_ =	sdelay $0x1  }
0x9b: {  	s6 =	simm.s32 $_scs_section_size  }
0x9c: {  	s7 =	simm.s32 $_size__tile_overlayer_lowered;
	s8 =	simm.s32 $_tile_overlayer_lowered  }
0x9d: {  	s22 =	simm.s32 $0x1BFF;
	s21 =	sshll.u32 s8, $0x1;
	s5 =	sadd.s32 s6, s19  }
0x9e: {  	s9 =	simm.s32 $0x0;
	s20 =	sshll.u32 s7, $0x1;
	s7 =	sadd.s32 s21, s5  }
0x9f: {  	[timem:s9], [sflag:s22] =	dma.local [hbm:s7], s20  }
0xa0: {  	_ =	swait.ge [sflag:s22], s20  }
0xa1: {  	s6 =	ssub.s32 $0x0, s20;
	[sflag:s22] =	ssyncset.done $0x0  }
0xa2: {  	[sflag:s22] =	ssyncadd.s32 s6;
	_ =	sdelay $0x1  }
0xa3: {  	s23 =	simm.s32 $0x1B8B  }
0xa4: {  	_ =	swait.ge [sflag:s23], $0x1  }
0xa5: {  	[sflag:s23] =	ssyncset.done $0x0  }
0xa6: {  	s25 =	simm.s32 $0x1B8E;
	s24 =	sld [smem:$0x3FFE];
	[sflag:s23] =	ssyncadd.s32 $0xFFFFFFFF  }
0xa7: {  	s26 =	simm.s32 $execute0_lowered;
	[smem:$0x3FD2] =	sst s25  }
0xa8: {  	s7 =	sshll.u32 s26, $0x1;
	_ =	strace $0x80000046;
	[dreg:$0x1] =	wrdreg $0xFFFFFFFF  }
0xa9: {  	s28 =	simm.s32 $_size_execute0_lowered;
	s5 =	sadd.s32 s5, s7;
	[dreg:$0x0] =	wrdreg $0x0  }
0xaa: {  	s7 =	sshll.u32 s28, $0x1;
	[dreg:$0x2] =	wrdreg s5  }
0xab: {  	[dreg:$0x3] =	wrdreg s7  }
0xac: {  	[dreg:$0x4] =	wrdreg $0xC0  }
0xad: {  	_ =	task [dreg:s9], $0x5FFFF  }
0xae: {  	[dreg:$0x1] =	wrdreg $0xFFFFFFFF  }
0xaf: {  	[dreg:$0x0] =	wrdreg $0x60  }
0xb0: {  	[dreg:$0x2] =	wrdreg s24  }
0xb1: {  	[dreg:$0x3] =	wrdreg s2  }
0xb2: {  	[dreg:$0x4] =	wrdreg s18  }
0xb3: {  	[dreg:$0x5] =	wrdreg s4  }
0xb4: {  	[dreg:$0x6] =	wrdreg $0x9  }
0xb5: {  	_ =	task.clear_ibuf [dreg:s9], $0x7FFFF;
	_ =	strace $0x90000046  }
0xb6: {  	s29 =	simm.s32 $0x9;
	_ =	strace $0x80000048  }
0xb7: {  	_ =	swait.ge [sflag:s29], $0x1  }
0xb8: {  	[sflag:s29] =	ssyncadd.s32 $0xFFFFFFFF  }
0xb9: {  	_ =	strace $0x90000048  }
0xba: {  	_ =	sfence  }
0xbb: {  	s30 =	sld [smem:$0x0];
	_ =	sdelay $0x2  }
0xbc: {  	s31 =	sshll.u32 s1, $0xD;
	s1 =	sshrl.u32 s1, $0x2  }
0xbd: {  	s3 =	sand.u32 $0x4000, s31;
	s1 =	sadd.s32 s1, s30  }
0xbe: {  	s0 =	sor.u32 s3, s0;
	s1 =	sshll.u32 s1, $0x11  }
0xbf: {  	s0 =	sor.u32 s1, s0  }
0xc0: {  	s0 =	sadd.s32 $0x8F2B, s0  }
0xc1: {  	[sflag:s0] =	ssyncadd.remote.s32 $0x1  }
0xc2: {  	_ =	sfence.sel $0xFFFF  }
0xc3: {  	[dreg:$0x0] =	wrdreg $0xFFFFFFFF;
	(pc) =	sbr.abs _section_cstart, $3  }
0xc4: {  	[dreg:$0x1] =	wrdreg $0xFFFFFFFF  }
0xc5: {  	_ =	task.clear_ibuf [dreg:s9], $0x2FFFF;
	_ =	strace $0x9FFFFFFF  }
0xc6: {  	(tm) =	ssettm $0x7FFFFFFF  }
0xc7: {  	_ =	shalt  }
tec
execute0_lowered:
.L_overlay_start_1:
0x0: {  	(tag) =	ssettag $0x1  }
0x1: {  	s0 =	rddreg [dreg:$0x0]  }
0x2: {  	s2 =	rddreg [dreg:$0x1]  }
0x3: {  	s1 =	rddreg [dreg:$0x2]  }
0x4: {  	s3 =	rddreg [dreg:$0x3]  }
0x5: {  	s7 =	stileid.u32;
	s5 =	srdreg.scid;
	s4 =	simm.s32 $0x0  }
0x6: {  	s15 =	simm.s32 $0x4400;
	s19 =	simm.s32 $0x6400;
	s28 =	simm.s32 $0xA400  }
0x7: {  	s18 =	simm.s32 $0xE400;
	s30 =	simm.s32 $0x12400;
	s31 =	simm.s32 $0x12C00  }
0x8: {  	s13 =	simm.s32 $0x13400;
	s11 =	simm.s32 $0x2;
	s14 =	simm.s32 $0x1  }
0x9: {  	s16 =	simm.s32 $0x0;
	s5 =	sand.u32 $0x1, s5;
	s6 =	sshll.u32 s7, $0x1  }
0xa: {  	[smem:$0x7FF] =	sst s4;
	s7 =	sshll.u32 s7, $0x8;
	s8 =	sadd.s32 $0x200, s2  }
0xb: {  	s9 =	sadd.s32 $0x300, s2;
	s10 =	sor.u32 s5, s6;
	_ =	strace $0x80000047  }
0xc: {  	s22 =	sand.u32 $0xC00, s7;
	s5 =	ssub.s32 $0x2, s5;
	s7 =	sadd.s32 $0x100, s2  }
0xd: {  	s23 =	sshll.u32 s10, $0x4;
	s0 =	sadd.s32 s22, s0;
	s25 =	sshrl.u32 s5, $0x1  }
0xe: {  	s26 =	sshll.u32 s10, $0xF;
	s10 =	sshll.u32 s10, $0x12;
	s24 =	sand.u32 $0x70, s23  }
0xf: {  	s5 =	ssub.s32 s5, s25;
	s6 =	sadd.s32 s1, s26;
	s23 =	simm.s32 $0x8400  }
0x10: {  	v2 =	vlaneseq.u32;
	s1 =	simm.s32 $0xC400;
	s0 =	sadd.s32 s24, s0;
	s29 =	smax.u32 s5, $0x1  }
0x11: {  	vm0 =	vmmov $0xffff;
	v1 =	vshrl.u32 v2, $0x3;
	s24 =	simm.s32 $0x10400;
	s0 =	sadd.s32 $0x400, s0;
	[dreg:$0x6] =	wrdreg s29  }
0x12: {  	v0 =	vand.u32 $0x7, v2;
	v2 =	vor.u32 $0x8, v2;
	v1 =	vmul.u32 $0x8, v1;
	s5 =	simm.s32 $0x13C00;
	[dreg:$0x5] =	wrdreg s0;
	s0 =	simm.s32 $0x3  }
.LBB2_1:
0x13: {  	[dreg:$0x7] =	wrdreg s16  }
0x14: {  	s12 =	rddreg [dreg:$0x5]  }
0x15: {  	s20 =	simm.s32 $0x80;
	s17 =	simm.s32 $0x400;
	s21 =	simm.s32 $0x4  }
0x16: {  	[tilespmem:s4], [sflag:$0x4] =	stream.strided.gather [hbm4b:s12+s20], $0x400, s17, s20, $0x38;
	[tilespmem:$0x14400] =	vst v63  }
0x17: {  	_ =	swait.ge [sflag:s21], $0x400  }
0x18: {  	[sflag:s21] =	ssyncset.done $0x0  }
0x19: {  	[sflag:s21] =	ssyncadd.s32 $0xFFFFFC00  }
0x1a: {  	[tilespmem:s17], [sflag:$0x2] =	stream.linear.gather [hbm4b:s6+s4], $0x2000, $0x38;
	[tilespmem:$0x14400] =	vst v63  }
0x1b: {  	v3 =	vld [tilespmem:$0x0];
	_ =	sdelay $0x4  }
0x1c: {  	v4 =	vshll.u32 v3, $0x3  }
0x1d: {  	v3 =	vand.u32 $0x7, v3;
	v4 =	vand.u32 $0xFFFFFFC0, v4  }
0x1e: {  	v3 =	vor.u32 v3, v4  }
0x1f: {  	v4 =	vperm.xlane v3, v0;
	_ =	sdelay $0x1  }
0x20: {  	v4 =	vadd.s32 v1, v4;
	_ =	sdelay $0x4  }
0x21: {  	[tilespmem:s15], [sflag:$0x1] =	stream.indirect_vreg.gather [hbm4b:s2+s4], $0x80, v4, vm0, $0xb8;
	[tilespmem:$0x14400] =	vst v63  }
0x22: {  	s22 =	simm.s32 $0x4C00;
	v3 =	vperm.xlane v3, v2  }
0x23: {  	[tilespmem:s22], [sflag:$0x1] =	stream.indirect_vreg.gather [hbm4b:s7+s4], $0x80, v4, vm0, $0xb8;
	[tilespmem:$0x14400] =	vst v63  }
0x24: {  	s25 =	simm.s32 $0x5400;
	v3 =	vadd.s32 v1, v3  }
0x25: {  	[tilespmem:s25], [sflag:$0x1] =	stream.indirect_vreg.gather [hbm4b:s8+s4], $0x80, v4, vm0, $0xb8;
	[tilespmem:$0x14400] =	vst v63  }
0x26: {  	s26 =	simm.s32 $0x5C00  }
0x27: {  	[tilespmem:s26], [sflag:$0x1] =	stream.indirect_vreg.gather [hbm4b:s9+s4], $0x80, v4, vm0, $0xb8;
	[tilespmem:$0x14400] =	vst v63  }
0x28: {  	_ = 	snop  }
0x29: {  	[tilespmem:s19], [sflag:$0x1] =	stream.indirect_vreg.gather [hbm4b:s2+s4], $0x80, v3, vm0, $0xb8;
	[tilespmem:$0x14400] =	vst v63  }
0x2a: {  	s29 =	simm.s32 $0x6C00  }
0x2b: {  	[tilespmem:s29], [sflag:$0x1] =	stream.indirect_vreg.gather [hbm4b:s7+s4], $0x80, v3, vm0, $0xb8;
	[tilespmem:$0x14400] =	vst v63  }
0x2c: {  	s16 =	simm.s32 $0x7400  }
0x2d: {  	[tilespmem:s16], [sflag:$0x1] =	stream.indirect_vreg.gather [hbm4b:s8+s4], $0x80, v3, vm0, $0xb8;
	[tilespmem:$0x14400] =	vst v63  }
0x2e: {  	s17 =	simm.s32 $0x7C00  }
0x2f: {  	[tilespmem:s17], [sflag:$0x1] =	stream.indirect_vreg.gather [hbm4b:s9+s4], $0x80, v3, vm0, $0xb8;
	[tilespmem:$0x14400] =	vst v63  }
0x30: {  	v3 =	vld [tilespmem:$0x10];
	_ =	sdelay $0x4  }
0x31: {  	v63 =	vshll.u32 v3, $0x3  }
0x32: {  	v3 =	vand.u32 $0x7, v3;
	v4 =	vand.u32 $0xFFFFFFC0, v63  }
0x33: {  	v3 =	vor.u32 v3, v4  }
0x34: {  	v4 =	vperm.xlane v3, v0;
	_ =	sdelay $0x1  }
0x35: {  	v4 =	vadd.s32 v1, v4;
	_ =	sdelay $0x4  }
0x36: {  	[tilespmem:s23], [sflag:$0x1] =	stream.indirect_vreg.gather [hbm4b:s2+s4], $0x80, v4, vm0, $0xb8;
	[tilespmem:$0x14400] =	vst v63  }
0x37: {  	s20 =	simm.s32 $0x8C00;
	v3 =	vperm.xlane v3, v2  }
0x38: {  	[tilespmem:s20], [sflag:$0x1] =	stream.indirect_vreg.gather [hbm4b:s7+s4], $0x80, v4, vm0, $0xb8;
	[tilespmem:$0x14400] =	vst v63  }
0x39: {  	s21 =	simm.s32 $0x9400;
	v3 =	vadd.s32 v1, v3  }
0x3a: {  	[tilespmem:s21], [sflag:$0x1] =	stream.indirect_vreg.gather [hbm4b:s8+s4], $0x80, v4, vm0, $0xb8;
	[tilespmem:$0x14400] =	vst v63  }
0x3b: {  	s22 =	simm.s32 $0x9C00  }
0x3c: {  	[tilespmem:s22], [sflag:$0x1] =	stream.indirect_vreg.gather [hbm4b:s9+s4], $0x80, v4, vm0, $0xb8;
	[tilespmem:$0x14400] =	vst v63  }
0x3d: {  	_ = 	snop  }
0x3e: {  	[tilespmem:s28], [sflag:$0x1] =	stream.indirect_vreg.gather [hbm4b:s2+s4], $0x80, v3, vm0, $0xb8;
	[tilespmem:$0x14400] =	vst v63  }
0x3f: {  	s25 =	simm.s32 $0xAC00  }
0x40: {  	[tilespmem:s25], [sflag:$0x1] =	stream.indirect_vreg.gather [hbm4b:s7+s4], $0x80, v3, vm0, $0xb8;
	[tilespmem:$0x14400] =	vst v63  }
0x41: {  	s26 =	simm.s32 $0xB400  }
0x42: {  	[tilespmem:s26], [sflag:$0x1] =	stream.indirect_vreg.gather [hbm4b:s8+s4], $0x80, v3, vm0, $0xb8;
	[tilespmem:$0x14400] =	vst v63  }
0x43: {  	s12 =	simm.s32 $0x0;
	s29 =	simm.s32 $0xBC00  }
0x44: {  	[tilespmem:s29], [sflag:$0x1] =	stream.indirect_vreg.gather [hbm4b:s9+s4], $0x80, v3, vm0, $0xb8;
	[tilespmem:$0x14400] =	vst v63  }
.LBB2_2:
0x45: {  	p0 =	seq.s32 s12, $0x0  }
0x46: {  	s20 =	simm.s32 @!p0 $0x3  }
0x47: {  	_ =	swait.ge @!p0 [sflag:s20], $0x2000  }
0x48: {  	[sflag:s20] =	ssyncset.done @!p0 $0x0  }
0x49: {  	[sflag:s20] =	ssyncadd.s32 @!p0 $0xFFFFE000  }
0x4a: {  	_ =	swait.ge @!p0 [sflag:s20], $0x2000  }
0x4b: {  	[sflag:s20] =	ssyncset.done @!p0 $0x0  }
0x4c: {  	[sflag:s20] =	ssyncadd.s32 @!p0 $0xFFFFE000  }
0x4d: {  	_ =	swait.ge @!p0 [sflag:s20], $0x2000  }
0x4e: {  	[sflag:s20] =	ssyncset.done @!p0 $0x0  }
0x4f: {  	s17 =	sshll.u32 s12, $0x1;
	[sflag:s20] =	ssyncadd.s32 @!p0 $0xFFFFE000  }
0x50: {  	s16 =	sor.u32 $0x1, s17;
	_ =	swait.ge @!p0 [sflag:s20], $0x2000  }
0x51: {  	s22 =	simm.s32 $0x2400;
	s21 =	sshll.u32 s16, $0xA;
	[sflag:s20] =	ssyncset.done @!p0 $0x0  }
0x52: {  	s21 =	sadd.s32 s21, s6;
	[sflag:s20] =	ssyncadd.s32 @!p0 $0xFFFFE000;
	s20 =	simm.s32 $0x0  }
0x53: {  	[tilespmem:s22], [sflag:$0x2] =	stream.linear.gather [hbm4b:s21+s20], $0x2000, $0x38;
	[tilespmem:$0x14400] =	vst v63  }
0x54: {  	s22 =	sshll.u32 s16, $0x5  }
0x55: {  	s21 =	sand.u32 $0x3FFFFFE0, s22  }
0x56: {  	v3 =	vld [tilespmem:s21+$0x0];
	_ =	sdelay $0x4  }
0x57: {  	v4 =	vshll.u32 v3, $0x3  }
0x58: {  	v3 =	vand.u32 $0x7, v3;
	v4 =	vand.u32 $0xFFFFFFC0, v4  }
0x59: {  	v3 =	vor.u32 v3, v4  }
0x5a: {  	v4 =	vperm.xlane v3, v0;
	_ =	sdelay $0x1  }
0x5b: {  	v4 =	vadd.s32 v1, v4;
	_ =	sdelay $0x4  }
0x5c: {  	[tilespmem:s1], [sflag:$0x1] =	stream.indirect_vreg.gather [hbm4b:s2+s20], $0x80, v4, vm0, $0xb8;
	[tilespmem:$0x14400] =	vst v63  }
0x5d: {  	s25 =	simm.s32 $0xCC00;
	v3 =	vperm.xlane v3, v2  }
0x5e: {  	[tilespmem:s25], [sflag:$0x1] =	stream.indirect_vreg.gather [hbm4b:s7+s20], $0x80, v4, vm0, $0xb8;
	[tilespmem:$0x14400] =	vst v63  }
0x5f: {  	s26 =	simm.s32 $0xD400;
	v3 =	vadd.s32 v1, v3  }
0x60: {  	[tilespmem:s26], [sflag:$0x1] =	stream.indirect_vreg.gather [hbm4b:s8+s20], $0x80, v4, vm0, $0xb8;
	[tilespmem:$0x14400] =	vst v63  }
0x61: {  	s29 =	simm.s32 $0xDC00  }
0x62: {  	[tilespmem:s29], [sflag:$0x1] =	stream.indirect_vreg.gather [hbm4b:s9+s20], $0x80, v4, vm0, $0xb8;
	[tilespmem:$0x14400] =	vst v63  }
0x63: {  	_ = 	snop  }
0x64: {  	[tilespmem:s18], [sflag:$0x1] =	stream.indirect_vreg.gather [hbm4b:s2+s20], $0x80, v3, vm0, $0xb8;
	[tilespmem:$0x14400] =	vst v63  }
0x65: {  	s25 =	simm.s32 $0xEC00  }
0x66: {  	[tilespmem:s25], [sflag:$0x1] =	stream.indirect_vreg.gather [hbm4b:s7+s20], $0x80, v3, vm0, $0xb8;
	[tilespmem:$0x14400] =	vst v63  }
0x67: {  	s26 =	simm.s32 $0xF400  }
0x68: {  	[tilespmem:s26], [sflag:$0x1] =	stream.indirect_vreg.gather [hbm4b:s8+s20], $0x80, v3, vm0, $0xb8;
	[tilespmem:$0x14400] =	vst v63  }
0x69: {  	s29 =	simm.s32 $0xFC00  }
0x6a: {  	[tilespmem:s29], [sflag:$0x1] =	stream.indirect_vreg.gather [hbm4b:s9+s20], $0x80, v3, vm0, $0xb8;
	[tilespmem:$0x14400] =	vst v63  }
0x6b: {  	v3 =	vld [tilespmem:s21+$0x10];
	_ =	sdelay $0x4  }
0x6c: {  	v63 =	vshll.u32 v3, $0x3  }
0x6d: {  	v3 =	vand.u32 $0x7, v3;
	v4 =	vand.u32 $0xFFFFFFC0, v63  }
0x6e: {  	v3 =	vor.u32 v3, v4  }
0x6f: {  	v4 =	vperm.xlane v3, v0;
	_ =	sdelay $0x1  }
0x70: {  	v4 =	vadd.s32 v1, v4;
	_ =	sdelay $0x4  }
0x71: {  	[tilespmem:s24], [sflag:$0x1] =	stream.indirect_vreg.gather [hbm4b:s2+s20], $0x80, v4, vm0, $0xb8;
	[tilespmem:$0x14400] =	vst v63  }
0x72: {  	s25 =	simm.s32 $0x10C00;
	v3 =	vperm.xlane v3, v2  }
0x73: {  	[tilespmem:s25], [sflag:$0x1] =	stream.indirect_vreg.gather [hbm4b:s7+s20], $0x80, v4, vm0, $0xb8;
	[tilespmem:$0x14400] =	vst v63  }
0x74: {  	s26 =	simm.s32 $0x11400;
	v3 =	vadd.s32 v1, v3  }
0x75: {  	[tilespmem:s26], [sflag:$0x1] =	stream.indirect_vreg.gather [hbm4b:s8+s20], $0x80, v4, vm0, $0xb8;
	[tilespmem:$0x14400] =	vst v63  }
0x76: {  	s29 =	simm.s32 $0x11C00  }
0x77: {  	[tilespmem:s29], [sflag:$0x1] =	stream.indirect_vreg.gather [hbm4b:s9+s20], $0x80, v4, vm0, $0xb8;
	[tilespmem:$0x14400] =	vst v63  }
0x78: {  	_ = 	snop  }
0x79: {  	[tilespmem:s30], [sflag:$0x1] =	stream.indirect_vreg.gather [hbm4b:s2+s20], $0x80, v3, vm0, $0xb8;
	[tilespmem:$0x14400] =	vst v63  }
0x7a: {  	_ = 	snop  }
0x7b: {  	[tilespmem:s31], [sflag:$0x1] =	stream.indirect_vreg.gather [hbm4b:s7+s20], $0x80, v3, vm0, $0xb8;
	[tilespmem:$0x14400] =	vst v63  }
0x7c: {  	_ = 	snop  }
0x7d: {  	[tilespmem:s13], [sflag:$0x1] =	stream.indirect_vreg.gather [hbm4b:s8+s20], $0x80, v3, vm0, $0xb8;
	[tilespmem:$0x14400] =	vst v63  }
0x7e: {  	_ = 	snop  }
0x7f: {  	[tilespmem:s5], [sflag:$0x1] =	stream.indirect_vreg.gather [hbm4b:s9+s20], $0x80, v3, vm0, $0xb8;
	[tilespmem:$0x14400] =	vst v63  }
0x80: {  	_ =	swait.ge [sflag:s11], $0x2000  }
0x81: {  	[sflag:s11] =	ssyncset.done $0x0  }
0x82: {  	[sflag:s11] =	ssyncadd.s32 $0xFFFFE000  }
0x83: {  	_ =	swait.ge [sflag:s14], $0x8000  }
0x84: {  	[sflag:s14] =	ssyncset.done $0x0  }
0x85: {  	s21 =	simm.s32 $0x0;
	[sflag:s14] =	ssyncadd.s32 $0xFFFF8000  }
.LBB2_3:
0x86: {  	s22 =	sshra.s32 s20, $0x2  }
0x87: {  	v4 =	vld [tilespmem:s22+$0xA470]  }
0x88: {  	v5 =	vld [tilespmem:s22+$0x4400]  }
0x89: {  	v3 =	vld [tilespmem:s22+$0x470]  }
0x8a: {  	v6 =	vld [tilespmem:s22+$0x6400]  }
0x8b: {  	v7 =	vld [tilespmem:s22+$0x8400]  }
0x8c: {  	v8 =	vld [tilespmem:s22+$0xA400]  }
0x8d: {  	v9 =	vld [tilespmem:s22+$0x4410]  }
0x8e: {  	v10 =	vld [tilespmem:s22+$0x6410]  }
0x8f: {  	v11 =	vld [tilespmem:s22+$0x8410]  }
0x90: {  	v12 =	vld [tilespmem:s22+$0xA410]  }
0x91: {  	v13 =	vld [tilespmem:s22+$0x4420]  }
0x92: {  	v14 =	vld [tilespmem:s22+$0x6420]  }
0x93: {  	v15 =	vld [tilespmem:s22+$0x8420]  }
0x94: {  	v16 =	vld [tilespmem:s22+$0xA420]  }
0x95: {  	v17 =	vld [tilespmem:s22+$0x4430]  }
0x96: {  	v18 =	vld [tilespmem:s22+$0x6430]  }
0x97: {  	v19 =	vld [tilespmem:s22+$0x8430]  }
0x98: {  	v20 =	vld [tilespmem:s22+$0xA430]  }
0x99: {  	v22 =	vld [tilespmem:s22+$0x4440]  }
0x9a: {  	v23 =	vld [tilespmem:s22+$0x6440]  }
0x9b: {  	v25 =	vld [tilespmem:s22+$0x8440]  }
0x9c: {  	v26 =	vld [tilespmem:s22+$0xA440]  }
0x9d: {  	v27 =	vld [tilespmem:s22+$0x4450]  }
0x9e: {  	v28 =	vld [tilespmem:s22+$0x6450];
	v21 =	vmul.f32 $3.200000000e+01, v4;
	v32 =	vmul.f32 $3.200000000e+01, v5  }
0x9f: {  	v29 =	vld [tilespmem:s22+$0x8450];
	v33 =	vmul.f32 $3.200000000e+01, v6;
	v4 =	vmul.f32 $3.200000000e+01, v7  }
0xa0: {  	v30 =	vld [tilespmem:s22+$0xA450];
	v6 =	vmul.f32 $3.200000000e+01, v8;
	v5 =	vmul.f32 $3.200000000e+01, v9  }
0xa1: {  	v31 =	vld [tilespmem:s22+$0x4460];
	v7 =	vmul.f32 $3.200000000e+01, v10;
	v8 =	vmul.f32 $3.200000000e+01, v11  }
0xa2: {  	v34 =	vld [tilespmem:s22+$0x6460];
	v9 =	vmul.f32 $3.200000000e+01, v12;
	v10 =	vmul.f32 $3.200000000e+01, v13  }
0xa3: {  	v35 =	vld [tilespmem:s22+$0x8460];
	v11 =	vmul.f32 $3.200000000e+01, v14;
	v12 =	vmul.f32 $3.200000000e+01, v15  }
0xa4: {  	v40 =	vld [tilespmem:s22+$0x4470];
	v13 =	vmul.f32 $3.200000000e+01, v16;
	v14 =	vmul.f32 $3.200000000e+01, v17  }
0xa5: {  	v39 =	vld [tilespmem:s22+$0xA460];
	v18 =	vmul.f32 $3.200000000e+01, v18;
	v16 =	vmul.f32 $3.200000000e+01, v19  }
0xa6: {  	v42 =	vld [tilespmem:s22+$0x8470];
	v19 =	vmul.f32 $3.200000000e+01, v22;
	v24 =	vmul.f32 $3.200000000e+01, v23  }
0xa7: {  	v38 =	vld [tilespmem:s22+$0x400];
	v22 =	vmul.f32 $3.200000000e+01, v25;
	v15 =	vmul.f32 $3.200000000e+01, v26  }
0xa8: {  	v41 =	vld [tilespmem:s22+$0x6470];
	v23 =	vmul.f32 $3.200000000e+01, v27;
	v17 =	vmul.f32 $3.200000000e+01, v28  }
0xa9: {  	v37 =	vld [tilespmem:s22+$0x410];
	v28 =	vmul.f32 $3.200000000e+01, v31;
	v31 =	vmul.f32 $3.200000000e+01, v40  }
0xaa: {  	v36 =	vld [tilespmem:s22+$0x420];
	v25 =	vmul.f32 $3.200000000e+01, v29;
	v26 =	vmul.f32 $3.200000000e+01, v34;
	v21 =	vadd.f32 v21, v3  }
0xab: {  	v29 =	vmul.f32 $3.200000000e+01, v35;
	v35 =	vld [tilespmem:s22+$0x430];
	v27 =	vmul.f32 $3.200000000e+01, v39;
	v39 =	vadd.f32 v31, v3  }
0xac: {  	v34 =	vld [tilespmem:s22+$0x440];
	v31 =	vmul.f32 $3.200000000e+01, v42;
	v40 =	vadd.f32 v32, v38;
	[tilespmem:s22+$0xA470] =	vst v21;
	v21 =	vmul.f32 $3.200000000e+01, v20  }
0xad: {  	s25 =	simm.s32 $0x0;
	s26 =	sadd.s32 $0x1000, s20;
	v32 =	vadd.f32 v33, v38;
	v33 =	vld [tilespmem:s22+$0x450];
	v20 =	vmul.f32 $3.200000000e+01, v30;
	v30 =	vmul.f32 $3.200000000e+01, v41  }
.LBB2_4:
0xae: {  	s29 =	sshra.s32 s26, $0x2;
	s25 =	sadd.s32 $0x8, s25;
	v4 =	vadd.f32 v4, v38;
	v6 =	vadd.f32 v6, v38;
	v38 =	vld [tilespmem:s22+$0x460];
	[tilespmem:s22+$0x4470] =	vst v39  }
0xaf: {  	v5 =	vadd.f32 v5, v37;
	v7 =	vadd.f32 v7, v37;
	v39 =	vld [tilespmem:s29+$0xA470];
	p0 =	slt.u32 s25, $0x38;
	[tilespmem:s22+$0x4400] =	vst v40  }
0xb0: {  	v8 =	vadd.f32 v8, v37;
	v9 =	vadd.f32 v9, v37;
	v40 =	vld [tilespmem:s29+$0x4400];
	[tilespmem:s22+$0x6400] =	vst v32  }
0xb1: {  	v37 =	vld [tilespmem:s29+$0x470];
	[tilespmem:s22+$0x8400] =	vst v4;
	v4 =	vadd.f32 v10, v36;
	v10 =	vadd.f32 v11, v36  }
0xb2: {  	v12 =	vadd.f32 v12, v36;
	v13 =	vadd.f32 v13, v36;
	v11 =	vld [tilespmem:s29+$0x6400];
	[tilespmem:s22+$0xA400] =	vst v6  }
0xb3: {  	v14 =	vadd.f32 v14, v35;
	v18 =	vadd.f32 v18, v35;
	v6 =	vld [tilespmem:s29+$0x8400];
	[tilespmem:s22+$0x4410] =	vst v5  }
0xb4: {  	v16 =	vadd.f32 v16, v35;
	v21 =	vadd.f32 v21, v35;
	v5 =	vld [tilespmem:s29+$0xA400];
	v36 =	vmul.f32 $3.200000000e+01, v39;
	[tilespmem:s22+$0x6410] =	vst v7  }
0xb5: {  	v19 =	vadd.f32 v19, v34;
	v24 =	vadd.f32 v24, v34;
	v32 =	vmul.f32 $3.200000000e+01, v40;
	v7 =	vld [tilespmem:s29+$0x4410];
	[tilespmem:s22+$0x8410] =	vst v8  }
0xb6: {  	v22 =	vadd.f32 v22, v34;
	v8 =	vld [tilespmem:s29+$0x6410];
	v35 =	vadd.f32 v36, v37;
	[tilespmem:s22+$0xA410] =	vst v9  }
0xb7: {  	v15 =	vadd.f32 v15, v34;
	v23 =	vadd.f32 v23, v33;
	v41 =	vmul.f32 $3.200000000e+01, v11;
	v9 =	vld [tilespmem:s29+$0x8410];
	[tilespmem:s22+$0x4420] =	vst v4  }
0xb8: {  	v17 =	vadd.f32 v17, v33;
	v25 =	vadd.f32 v25, v33;
	v4 =	vmul.f32 $3.200000000e+01, v6;
	v11 =	vld [tilespmem:s29+$0xA410];
	[tilespmem:s29+$0xA470] =	vst v35  }
0xb9: {  	v20 =	vadd.f32 v20, v33;
	v28 =	vadd.f32 v28, v38;
	v6 =	vmul.f32 $3.200000000e+01, v5;
	v34 =	vld [tilespmem:s29+$0x4420];
	[tilespmem:s22+$0x6420] =	vst v10  }
0xba: {  	v26 =	vadd.f32 v26, v38;
	v29 =	vadd.f32 v29, v38;
	v5 =	vmul.f32 $3.200000000e+01, v7;
	v33 =	vld [tilespmem:s29+$0x6420];
	[tilespmem:s22+$0x8420] =	vst v12  }
0xbb: {  	v30 =	vadd.f32 v30, v3;
	v27 =	vadd.f32 v27, v38;
	v7 =	vmul.f32 $3.200000000e+01, v8;
	v12 =	vld [tilespmem:s29+$0x8420];
	[tilespmem:s22+$0xA420] =	vst v13  }
0xbc: {  	v31 =	vadd.f32 v31, v3;
	v3 =	vmov v37;
	v8 =	vmul.f32 $3.200000000e+01, v9;
	v13 =	vld [tilespmem:s29+$0xA420];
	[tilespmem:s22+$0x4430] =	vst v14  }
0xbd: {  	v9 =	vmul.f32 $3.200000000e+01, v11;
	v14 =	vld [tilespmem:s29+$0x4430];
	[tilespmem:s22+$0x6430] =	vst v18  }
0xbe: {  	v10 =	vmul.f32 $3.200000000e+01, v34;
	v18 =	vld [tilespmem:s29+$0x6430];
	[tilespmem:s22+$0x8430] =	vst v16  }
0xbf: {  	v11 =	vmul.f32 $3.200000000e+01, v33;
	v16 =	vld [tilespmem:s29+$0x8430];
	[tilespmem:s22+$0xA430] =	vst v21  }
0xc0: {  	v12 =	vmul.f32 $3.200000000e+01, v12;
	v21 =	vld [tilespmem:s29+$0xA430];
	[tilespmem:s22+$0x4440] =	vst v19  }
0xc1: {  	v13 =	vmul.f32 $3.200000000e+01, v13;
	v19 =	vld [tilespmem:s29+$0x4440];
	[tilespmem:s22+$0x6440] =	vst v24  }
0xc2: {  	v14 =	vmul.f32 $3.200000000e+01, v14;
	v24 =	vld [tilespmem:s29+$0x6440];
	[tilespmem:s22+$0x8440] =	vst v22  }
0xc3: {  	v18 =	vmul.f32 $3.200000000e+01, v18;
	v22 =	vld [tilespmem:s29+$0x8440];
	[tilespmem:s22+$0xA440] =	vst v15  }
0xc4: {  	v16 =	vmul.f32 $3.200000000e+01, v16;
	v15 =	vld [tilespmem:s29+$0xA440];
	[tilespmem:s22+$0x4450] =	vst v23  }
0xc5: {  	v21 =	vmul.f32 $3.200000000e+01, v21;
	v23 =	vld [tilespmem:s29+$0x4450];
	[tilespmem:s22+$0x6450] =	vst v17  }
0xc6: {  	v19 =	vmul.f32 $3.200000000e+01, v19;
	v17 =	vld [tilespmem:s29+$0x6450];
	[tilespmem:s22+$0x8450] =	vst v25  }
0xc7: {  	v24 =	vmul.f32 $3.200000000e+01, v24;
	v25 =	vld [tilespmem:s29+$0x8450];
	[tilespmem:s22+$0xA450] =	vst v20  }
0xc8: {  	v22 =	vmul.f32 $3.200000000e+01, v22;
	v20 =	vld [tilespmem:s29+$0xA450];
	[tilespmem:s22+$0x4460] =	vst v28  }
0xc9: {  	v15 =	vmul.f32 $3.200000000e+01, v15;
	v28 =	vld [tilespmem:s29+$0x4460];
	[tilespmem:s22+$0x6460] =	vst v26  }
0xca: {  	v23 =	vmul.f32 $3.200000000e+01, v23;
	v26 =	vld [tilespmem:s29+$0x6460];
	[tilespmem:s22+$0x8460] =	vst v29  }
0xcb: {  	v17 =	vmul.f32 $3.200000000e+01, v17;
	v29 =	vld [tilespmem:s29+$0x8460];
	[tilespmem:s22+$0xA460] =	vst v27  }
0xcc: {  	v25 =	vmul.f32 $3.200000000e+01, v25;
	v27 =	vld [tilespmem:s29+$0xA460];
	[tilespmem:s22+$0x6470] =	vst v30  }
0xcd: {  	v20 =	vmul.f32 $3.200000000e+01, v20;
	v30 =	vld [tilespmem:s29+$0x4470];
	[tilespmem:s22+$0x8470] =	vst v31;
	s22 =	smov.u32 s29  }
0xce: {  	v28 =	vmul.f32 $3.200000000e+01, v28;
	v31 =	vld [tilespmem:s22+$0x6470]  }
0xcf: {  	v26 =	vmul.f32 $3.200000000e+01, v26;
	v33 =	vld [tilespmem:s22+$0x8470]  }
0xd0: {  	v38 =	vld [tilespmem:s22+$0x400];
	v29 =	vmul.f32 $3.200000000e+01, v29  }
.Ltmp0:
0xd1: {  	v37 =	vld [tilespmem:s22+$0x410];
	v27 =	vmul.f32 $3.200000000e+01, v27;
	(pc) =	sbr.rel @p0 .LBB2_4-.Ltmp0, $4  }
0xd2: {  	v36 =	vld [tilespmem:s22+$0x420];
	v39 =	vmul.f32 $3.200000000e+01, v30  }
0xd3: {  	v35 =	vld [tilespmem:s22+$0x430];
	v30 =	vmul.f32 $3.200000000e+01, v31  }
0xd4: {  	v34 =	vld [tilespmem:s22+$0x440];
	v39 =	vadd.f32 v39, v3;
	v31 =	vmul.f32 $3.200000000e+01, v33  }
0xd5: {  	s26 =	sadd.s32 $0x1000, s26;
	v40 =	vadd.f32 v32, v38;
	v32 =	vadd.f32 v41, v38;
	v33 =	vld [tilespmem:s22+$0x450]  }
0xd6: {  	[tilespmem:s22+$0x4470] =	vst v39  }
0xd7: {  	v4 =	vadd.f32 v4, v38;
	[tilespmem:s22+$0x4400] =	vst v40  }
0xd8: {  	v6 =	vadd.f32 v6, v38;
	[tilespmem:s22+$0x6400] =	vst v32  }
0xd9: {  	v5 =	vadd.f32 v5, v37;
	[tilespmem:s22+$0x8400] =	vst v4  }
0xda: {  	v41 =	vadd.f32 v8, v37;
	[tilespmem:s22+$0xA400] =	vst v6  }
0xdb: {  	v42 =	vadd.f32 v9, v37;
	[tilespmem:s22+$0x4410] =	vst v5  }
0xdc: {  	v63 =	vadd.f32 v30, v3;
	[tilespmem:s22+$0x8410] =	vst v41  }
0xdd: {  	v3 =	vadd.f32 v31, v3;
	[tilespmem:s22+$0xA410] =	vst v42  }
0xde: {  	v40 =	vadd.f32 v7, v37;
	[tilespmem:s22+$0x6470] =	vst v63  }
0xdf: {  	v43 =	vadd.f32 v10, v36;
	[tilespmem:s22+$0x8470] =	vst v3  }
0xe0: {  	v44 =	vadd.f32 v11, v36;
	[tilespmem:s22+$0x6410] =	vst v40  }
0xe1: {  	v45 =	vadd.f32 v12, v36;
	[tilespmem:s22+$0x4420] =	vst v43  }
0xe2: {  	v46 =	vadd.f32 v13, v36;
	[tilespmem:s22+$0x6420] =	vst v44  }
0xe3: {  	v47 =	vadd.f32 v14, v35;
	[tilespmem:s22+$0x8420] =	vst v45  }
0xe4: {  	v48 =	vadd.f32 v18, v35;
	[tilespmem:s22+$0xA420] =	vst v46  }
0xe5: {  	v49 =	vadd.f32 v16, v35;
	[tilespmem:s22+$0x4430] =	vst v47  }
0xe6: {  	v50 =	vadd.f32 v21, v35;
	[tilespmem:s22+$0x6430] =	vst v48  }
0xe7: {  	v51 =	vadd.f32 v19, v34;
	[tilespmem:s22+$0x8430] =	vst v49  }
0xe8: {  	v52 =	vadd.f32 v24, v34;
	[tilespmem:s22+$0xA430] =	vst v50  }
0xe9: {  	v53 =	vadd.f32 v22, v34;
	[tilespmem:s22+$0x4440] =	vst v51  }
0xea: {  	v54 =	vld [tilespmem:s22+$0x460];
	v55 =	vadd.f32 v15, v34;
	[tilespmem:s22+$0x6440] =	vst v52  }
0xeb: {  	v56 =	vadd.f32 v23, v33;
	[tilespmem:s22+$0x8440] =	vst v53  }
0xec: {  	v57 =	vadd.f32 v17, v33;
	[tilespmem:s22+$0xA440] =	vst v55  }
0xed: {  	v58 =	vadd.f32 v25, v33;
	[tilespmem:s22+$0x4450] =	vst v56  }
0xee: {  	s21 =	sadd.s32 $0x1, s21;
	v59 =	vadd.f32 v20, v33;
	[tilespmem:s22+$0x6450] =	vst v57  }
0xef: {  	p0 =	sne.s32 s21, $0x8;
	v60 =	vadd.f32 v28, v54;
	[tilespmem:s22+$0x8450] =	vst v58  }
.Ltmp1:
0xf0: {  	v61 =	vadd.f32 v26, v54;
	[tilespmem:s22+$0xA450] =	vst v59;
	(pc) =	sbr.rel @p0 .LBB2_3-.Ltmp1, $4  }
0xf1: {  	v62 =	vadd.f32 v29, v54;
	[tilespmem:s22+$0x4460] =	vst v60  }
0xf2: {  	v5 =	vadd.f32 v27, v54;
	[tilespmem:s22+$0x6460] =	vst v61  }
0xf3: {  	[tilespmem:s22+$0x8460] =	vst v62  }
0xf4: {  	s20 =	sadd.s32 $0x200, s20;
	[tilespmem:s22+$0xA460] =	vst v5  }
0xf5: {  	s20 =	sshll.u32 s12, $0xE  }
0xf6: {  	s20 =	sadd.s32 s10, s20  }
0xf7: {  	s20 =	sshrl.u32 s20, $0x3  }
0xf8: {  	s21 =	sadd.s32 s3, s20;
	s26 =	sor.u32 $0x100000, s20  }
0xf9: {  	[hbm4b:s21+s4] =	stream.linear.scatter [tilespmem:s15], [sflag:$0x3], $0x2000, $0x38;
	[tilespmem:$0x14400] =	vst v63  }
0xfa: {  	s29 =	sor.u32 $0x200000, s20;
	s21 =	sadd.s32 s3, s26  }
0xfb: {  	[hbm4b:s21+s4] =	stream.linear.scatter [tilespmem:s19], [sflag:$0x3], $0x2000, $0x38;
	[tilespmem:$0x14400] =	vst v63  }
0xfc: {  	s20 =	sor.u32 $0x300000, s20;
	s21 =	sadd.s32 s3, s29  }
0xfd: {  	[hbm4b:s21+s4] =	stream.linear.scatter [tilespmem:s23], [sflag:$0x3], $0x2000, $0x38;
	[tilespmem:$0x14400] =	vst v63  }
0xfe: {  	s20 =	sadd.s32 s3, s20  }
0xff: {  	[hbm4b:s20+s4] =	stream.linear.scatter [tilespmem:s28], [sflag:$0x3], $0x2000, $0x38;
	[tilespmem:$0x14400] =	vst v63  }
0x100: {  	_ =	swait.ge [sflag:s0], $0x2000  }
0x101: {  	[sflag:s0] =	ssyncset.done $0x0  }
0x102: {  	[sflag:s0] =	ssyncadd.s32 $0xFFFFE000  }
0x103: {  	_ =	swait.ge [sflag:s0], $0x2000  }
0x104: {  	[sflag:s0] =	ssyncset.done $0x0  }
0x105: {  	[sflag:s0] =	ssyncadd.s32 $0xFFFFE000  }
0x106: {  	_ =	swait.ge [sflag:s0], $0x2000  }
0x107: {  	p0 =	seq.s32 s12, $0xF;
	[sflag:s0] =	ssyncset.done $0x0  }
0x108: {  	s17 =	sadd.s32 @!p0 $0x2, s17;
	[sflag:s0] =	ssyncadd.s32 $0xFFFFE000  }
0x109: {  	s22 =	simm.s32 @!p0 $0x400;
	s21 =	simm.s32 @!p0 $0x0;
	_ =	swait.ge [sflag:s0], $0x2000  }
0x10a: {  	s20 =	sshll.u32 @!p0 s17, $0xA;
	s17 =	sshll.u32 @!p0 s17, $0x5;
	[sflag:s0] =	ssyncset.done $0x0  }
0x10b: {  	s20 =	sadd.s32 @!p0 s20, s6;
	s17 =	sand.u32 @!p0 $0x3FFFFFE0, s17;
	[sflag:s0] =	ssyncadd.s32 $0xFFFFE000  }
0x10c: {  	[tilespmem:s22], [sflag:$0x2] =	stream.linear.gather @!p0 [hbm4b:s20+s21], $0x2000, $0x38;
	[tilespmem:$0x14400] =	vst v63  }
0x10d: {  	v3 =	vld @!p0 [tilespmem:s17+$0x0];
	_ =	sdelay $0x4  }
0x10e: {  	v4 =	vshll.u32 @!p0 v3, $0x3  }
0x10f: {  	v5 =	vlaneseq.u32 @!p0;
	v3 =	vand.u32 @!p0 $0x7, v3;
	v4 =	vand.u32 @!p0 $0xFFFFFFC0, v4  }
0x110: {  	v6 =	vshrl.u32 @!p0 v5, $0x3;
	v3 =	vor.u32 @!p0 v3, v4;
	v4 =	vand.u32 @!p0 $0x7, v5  }
0x111: {  	v6 =	vmul.u32 @!p0 $0x8, v6;
	v7 =	vperm.xlane @!p0 v3, v4;
	_ =	sdelay $0x1  }
0x112: {  	v7 =	vadd.s32 @!p0 v6, v7;
	_ =	sdelay $0x3  }
0x113: {  	vm1 =	vmmov @!p0 $0xffff;
	s20 =	simm.s32 @!p0 $0x4400  }
0x114: {  	v5 =	vor.u32 @!p0 $0x8, v5;
	[tilespmem:s20], [sflag:$0x1] =	stream.indirect_vreg.gather @!p0 [hbm4b:s2+s21], $0x80, v7, vm1, $0xb8;
	[tilespmem:$0x14400] =	vst v63  }
0x115: {  	v3 =	vperm.xlane @!p0 v3, v5;
	s20 =	simm.s32 @!p0 $0x4C00  }
0x116: {  	[tilespmem:s20], [sflag:$0x1] =	stream.indirect_vreg.gather @!p0 [hbm4b:s7+s21], $0x80, v7, vm1, $0xb8;
	[tilespmem:$0x14400] =	vst v63  }
0x117: {  	v3 =	vadd.s32 @!p0 v6, v3;
	s20 =	simm.s32 @!p0 $0x5400  }
0x118: {  	[tilespmem:s20], [sflag:$0x1] =	stream.indirect_vreg.gather @!p0 [hbm4b:s8+s21], $0x80, v7, vm1, $0xb8;
	[tilespmem:$0x14400] =	vst v63  }
0x119: {  	s20 =	simm.s32 @!p0 $0x5C00  }
0x11a: {  	[tilespmem:s20], [sflag:$0x1] =	stream.indirect_vreg.gather @!p0 [hbm4b:s9+s21], $0x80, v7, vm1, $0xb8;
	[tilespmem:$0x14400] =	vst v63  }
0x11b: {  	s20 =	simm.s32 @!p0 $0x6400  }
0x11c: {  	[tilespmem:s20], [sflag:$0x1] =	stream.indirect_vreg.gather @!p0 [hbm4b:s2+s21], $0x80, v3, vm1, $0xb8;
	[tilespmem:$0x14400] =	vst v63  }
0x11d: {  	s20 =	simm.s32 @!p0 $0x6C00  }
0x11e: {  	[tilespmem:s20], [sflag:$0x1] =	stream.indirect_vreg.gather @!p0 [hbm4b:s7+s21], $0x80, v3, vm1, $0xb8;
	[tilespmem:$0x14400] =	vst v63  }
0x11f: {  	s20 =	simm.s32 @!p0 $0x7400  }
0x120: {  	[tilespmem:s20], [sflag:$0x1] =	stream.indirect_vreg.gather @!p0 [hbm4b:s8+s21], $0x80, v3, vm1, $0xb8;
	[tilespmem:$0x14400] =	vst v63  }
0x121: {  	s20 =	simm.s32 @!p0 $0x7C00  }
0x122: {  	[tilespmem:s20], [sflag:$0x1] =	stream.indirect_vreg.gather @!p0 [hbm4b:s9+s21], $0x80, v3, vm1, $0xb8;
	[tilespmem:$0x14400] =	vst v63  }
0x123: {  	v3 =	vld @!p0 [tilespmem:s17+$0x10];
	_ =	sdelay $0x4  }
0x124: {  	v7 =	vshll.u32 @!p0 v3, $0x3  }
0x125: {  	v3 =	vand.u32 @!p0 $0x7, v3;
	v7 =	vand.u32 @!p0 $0xFFFFFFC0, v7  }
0x126: {  	v3 =	vor.u32 @!p0 v3, v7  }
0x127: {  	v4 =	vperm.xlane @!p0 v3, v4;
	_ =	sdelay $0x1  }
0x128: {  	v4 =	vadd.s32 @!p0 v6, v4;
	_ =	sdelay $0x3  }
0x129: {  	s17 =	simm.s32 @!p0 $0x8400  }
0x12a: {  	[tilespmem:s17], [sflag:$0x1] =	stream.indirect_vreg.gather @!p0 [hbm4b:s2+s21], $0x80, v4, vm1, $0xb8;
	[tilespmem:$0x14400] =	vst v63  }
0x12b: {  	v3 =	vperm.xlane @!p0 v3, v5;
	s17 =	simm.s32 @!p0 $0x8C00  }
0x12c: {  	[tilespmem:s17], [sflag:$0x1] =	stream.indirect_vreg.gather @!p0 [hbm4b:s7+s21], $0x80, v4, vm1, $0xb8;
	[tilespmem:$0x14400] =	vst v63  }
0x12d: {  	v3 =	vadd.s32 @!p0 v6, v3;
	s17 =	simm.s32 @!p0 $0x9400  }
0x12e: {  	[tilespmem:s17], [sflag:$0x1] =	stream.indirect_vreg.gather @!p0 [hbm4b:s8+s21], $0x80, v4, vm1, $0xb8;
	[tilespmem:$0x14400] =	vst v63  }
0x12f: {  	s17 =	simm.s32 @!p0 $0x9C00  }
0x130: {  	[tilespmem:s17], [sflag:$0x1] =	stream.indirect_vreg.gather @!p0 [hbm4b:s9+s21], $0x80, v4, vm1, $0xb8;
	[tilespmem:$0x14400] =	vst v63  }
0x131: {  	s17 =	simm.s32 @!p0 $0xA400  }
0x132: {  	[tilespmem:s17], [sflag:$0x1] =	stream.indirect_vreg.gather @!p0 [hbm4b:s2+s21], $0x80, v3, vm1, $0xb8;
	[tilespmem:$0x14400] =	vst v63  }
0x133: {  	s17 =	simm.s32 @!p0 $0xAC00  }
0x134: {  	[tilespmem:s17], [sflag:$0x1] =	stream.indirect_vreg.gather @!p0 [hbm4b:s7+s21], $0x80, v3, vm1, $0xb8;
	[tilespmem:$0x14400] =	vst v63  }
0x135: {  	s17 =	simm.s32 @!p0 $0xB400  }
0x136: {  	[tilespmem:s17], [sflag:$0x1] =	stream.indirect_vreg.gather @!p0 [hbm4b:s8+s21], $0x80, v3, vm1, $0xb8;
	[tilespmem:$0x14400] =	vst v63  }
0x137: {  	s17 =	simm.s32 @!p0 $0xBC00  }
0x138: {  	[tilespmem:s17], [sflag:$0x1] =	stream.indirect_vreg.gather @!p0 [hbm4b:s9+s21], $0x80, v3, vm1, $0xb8;
	[tilespmem:$0x14400] =	vst v63  }
0x139: {  	_ =	swait.ge [sflag:s11], $0x2000  }
0x13a: {  	[sflag:s11] =	ssyncset.done $0x0  }
0x13b: {  	[sflag:s11] =	ssyncadd.s32 $0xFFFFE000  }
0x13c: {  	_ =	swait.ge [sflag:s14], $0x8000  }
0x13d: {  	[sflag:s14] =	ssyncset.done $0x0  }
0x13e: {  	s20 =	simm.s32 $0x0;
	s17 =	simm.s32 $0x0;
	[sflag:s14] =	ssyncadd.s32 $0xFFFF8000  }
.LBB2_7:
0x13f: {  	s21 =	sshra.s32 s17, $0x2  }
0x140: {  	v4 =	vld [tilespmem:s21+$0x12470]  }
0x141: {  	v5 =	vld [tilespmem:s21+$0xC400]  }
0x142: {  	v3 =	vld [tilespmem:s21+$0x2470]  }
0x143: {  	v6 =	vld [tilespmem:s21+$0xE400]  }
0x144: {  	v7 =	vld [tilespmem:s21+$0x10400]  }
0x145: {  	v8 =	vld [tilespmem:s21+$0x12400]  }
0x146: {  	v9 =	vld [tilespmem:s21+$0xC410]  }
0x147: {  	v10 =	vld [tilespmem:s21+$0xE410]  }
0x148: {  	v11 =	vld [tilespmem:s21+$0x10410]  }
0x149: {  	v12 =	vld [tilespmem:s21+$0x12410]  }
0x14a: {  	v13 =	vld [tilespmem:s21+$0xC420]  }
0x14b: {  	v14 =	vld [tilespmem:s21+$0xE420]  }
0x14c: {  	v15 =	vld [tilespmem:s21+$0x10420]  }
0x14d: {  	v16 =	vld [tilespmem:s21+$0x12420]  }
0x14e: {  	v17 =	vld [tilespmem:s21+$0xC430]  }
0x14f: {  	v18 =	vld [tilespmem:s21+$0xE430]  }
0x150: {  	v19 =	vld [tilespmem:s21+$0x10430]  }
0x151: {  	v20 =	vld [tilespmem:s21+$0x12430]  }
0x152: {  	v22 =	vld [tilespmem:s21+$0xC440]  }
0x153: {  	v23 =	vld [tilespmem:s21+$0xE440]  }
0x154: {  	v25 =	vld [tilespmem:s21+$0x10440]  }
0x155: {  	v26 =	vld [tilespmem:s21+$0x12440]  }
0x156: {  	v27 =	vld [tilespmem:s21+$0xC450]  }
0x157: {  	v28 =	vld [tilespmem:s21+$0xE450];
	v21 =	vmul.f32 $3.200000000e+01, v4;
	v32 =	vmul.f32 $3.200000000e+01, v5  }
0x158: {  	v29 =	vld [tilespmem:s21+$0x10450];
	v33 =	vmul.f32 $3.200000000e+01, v6;
	v4 =	vmul.f32 $3.200000000e+01, v7  }
0x159: {  	v30 =	vld [tilespmem:s21+$0x12450];
	v6 =	vmul.f32 $3.200000000e+01, v8;
	v5 =	vmul.f32 $3.200000000e+01, v9  }
0x15a: {  	v31 =	vld [tilespmem:s21+$0xC460];
	v7 =	vmul.f32 $3.200000000e+01, v10;
	v8 =	vmul.f32 $3.200000000e+01, v11  }
0x15b: {  	v34 =	vld [tilespmem:s21+$0xE460];
	v9 =	vmul.f32 $3.200000000e+01, v12;
	v10 =	vmul.f32 $3.200000000e+01, v13  }
0x15c: {  	v35 =	vld [tilespmem:s21+$0x10460];
	v11 =	vmul.f32 $3.200000000e+01, v14;
	v12 =	vmul.f32 $3.200000000e+01, v15  }
0x15d: {  	v40 =	vld [tilespmem:s21+$0xC470];
	v13 =	vmul.f32 $3.200000000e+01, v16;
	v14 =	vmul.f32 $3.200000000e+01, v17  }
0x15e: {  	v39 =	vld [tilespmem:s21+$0x12460];
	v18 =	vmul.f32 $3.200000000e+01, v18;
	v16 =	vmul.f32 $3.200000000e+01, v19  }
0x15f: {  	v42 =	vld [tilespmem:s21+$0x10470];
	v19 =	vmul.f32 $3.200000000e+01, v22;
	v24 =	vmul.f32 $3.200000000e+01, v23  }
0x160: {  	v38 =	vld [tilespmem:s21+$0x2400];
	v22 =	vmul.f32 $3.200000000e+01, v25;
	v15 =	vmul.f32 $3.200000000e+01, v26  }
0x161: {  	v41 =	vld [tilespmem:s21+$0xE470];
	v23 =	vmul.f32 $3.200000000e+01, v27;
	v17 =	vmul.f32 $3.200000000e+01, v28  }
0x162: {  	v37 =	vld [tilespmem:s21+$0x2410];
	v28 =	vmul.f32 $3.200000000e+01, v31;
	v31 =	vmul.f32 $3.200000000e+01, v40  }
0x163: {  	v36 =	vld [tilespmem:s21+$0x2420];
	v25 =	vmul.f32 $3.200000000e+01, v29;
	v26 =	vmul.f32 $3.200000000e+01, v34;
	v21 =	vadd.f32 v21, v3  }
0x164: {  	v29 =	vmul.f32 $3.200000000e+01, v35;
	v35 =	vld [tilespmem:s21+$0x2430];
	v27 =	vmul.f32 $3.200000000e+01, v39;
	v39 =	vadd.f32 v31, v3  }
0x165: {  	v34 =	vld [tilespmem:s21+$0x2440];
	v31 =	vmul.f32 $3.200000000e+01, v42;
	v40 =	vadd.f32 v32, v38;
	[tilespmem:s21+$0x12470] =	vst v21;
	v21 =	vmul.f32 $3.200000000e+01, v20  }
0x166: {  	s22 =	simm.s32 $0x0;
	s25 =	sadd.s32 $0x1000, s17;
	v32 =	vadd.f32 v33, v38;
	v33 =	vld [tilespmem:s21+$0x2450];
	v20 =	vmul.f32 $3.200000000e+01, v30;
	v30 =	vmul.f32 $3.200000000e+01, v41  }
.LBB2_8:
0x167: {  	s26 =	sshra.s32 s25, $0x2;
	s22 =	sadd.s32 $0x8, s22;
	v4 =	vadd.f32 v4, v38;
	v6 =	vadd.f32 v6, v38;
	v38 =	vld [tilespmem:s21+$0x2460];
	[tilespmem:s21+$0xC470] =	vst v39  }
0x168: {  	v5 =	vadd.f32 v5, v37;
	v7 =	vadd.f32 v7, v37;
	v39 =	vld [tilespmem:s26+$0x12470];
	p0 =	slt.u32 s22, $0x38;
	[tilespmem:s21+$0xC400] =	vst v40  }
0x169: {  	v8 =	vadd.f32 v8, v37;
	v9 =	vadd.f32 v9, v37;
	v40 =	vld [tilespmem:s26+$0xC400];
	[tilespmem:s21+$0xE400] =	vst v32  }
0x16a: {  	v37 =	vld [tilespmem:s26+$0x2470];
	[tilespmem:s21+$0x10400] =	vst v4;
	v4 =	vadd.f32 v10, v36;
	v10 =	vadd.f32 v11, v36  }
0x16b: {  	v12 =	vadd.f32 v12, v36;
	v13 =	vadd.f32 v13, v36;
	v11 =	vld [tilespmem:s26+$0xE400];
	[tilespmem:s21+$0x12400] =	vst v6  }
0x16c: {  	v14 =	vadd.f32 v14, v35;
	v18 =	vadd.f32 v18, v35;
	v6 =	vld [tilespmem:s26+$0x10400];
	[tilespmem:s21+$0xC410] =	vst v5  }
0x16d: {  	v16 =	vadd.f32 v16, v35;
	v21 =	vadd.f32 v21, v35;
	v5 =	vld [tilespmem:s26+$0x12400];
	v36 =	vmul.f32 $3.200000000e+01, v39;
	[tilespmem:s21+$0xE410] =	vst v7  }
0x16e: {  	v19 =	vadd.f32 v19, v34;
	v24 =	vadd.f32 v24, v34;
	v32 =	vmul.f32 $3.200000000e+01, v40;
	v7 =	vld [tilespmem:s26+$0xC410];
	[tilespmem:s21+$0x10410] =	vst v8  }
0x16f: {  	v22 =	vadd.f32 v22, v34;
	v8 =	vld [tilespmem:s26+$0xE410];
	v35 =	vadd.f32 v36, v37;
	[tilespmem:s21+$0x12410] =	vst v9  }
0x170: {  	v15 =	vadd.f32 v15, v34;
	v23 =	vadd.f32 v23, v33;
	v41 =	vmul.f32 $3.200000000e+01, v11;
	v9 =	vld [tilespmem:s26+$0x10410];
	[tilespmem:s21+$0xC420] =	vst v4  }
0x171: {  	v17 =	vadd.f32 v17, v33;
	v25 =	vadd.f32 v25, v33;
	v4 =	vmul.f32 $3.200000000e+01, v6;
	v11 =	vld [tilespmem:s26+$0x12410];
	[tilespmem:s26+$0x12470] =	vst v35  }
0x172: {  	v20 =	vadd.f32 v20, v33;
	v28 =	vadd.f32 v28, v38;
	v6 =	vmul.f32 $3.200000000e+01, v5;
	v34 =	vld [tilespmem:s26+$0xC420];
	[tilespmem:s21+$0xE420] =	vst v10  }
0x173: {  	v26 =	vadd.f32 v26, v38;
	v29 =	vadd.f32 v29, v38;
	v5 =	vmul.f32 $3.200000000e+01, v7;
	v33 =	vld [tilespmem:s26+$0xE420];
	[tilespmem:s21+$0x10420] =	vst v12  }
0x174: {  	v30 =	vadd.f32 v30, v3;
	v27 =	vadd.f32 v27, v38;
	v7 =	vmul.f32 $3.200000000e+01, v8;
	v12 =	vld [tilespmem:s26+$0x10420];
	[tilespmem:s21+$0x12420] =	vst v13  }
0x175: {  	v31 =	vadd.f32 v31, v3;
	v3 =	vmov v37;
	v8 =	vmul.f32 $3.200000000e+01, v9;
	v13 =	vld [tilespmem:s26+$0x12420];
	[tilespmem:s21+$0xC430] =	vst v14  }
0x176: {  	v9 =	vmul.f32 $3.200000000e+01, v11;
	v14 =	vld [tilespmem:s26+$0xC430];
	[tilespmem:s21+$0xE430] =	vst v18  }
0x177: {  	v10 =	vmul.f32 $3.200000000e+01, v34;
	v18 =	vld [tilespmem:s26+$0xE430];
	[tilespmem:s21+$0x10430] =	vst v16  }
0x178: {  	v11 =	vmul.f32 $3.200000000e+01, v33;
	v16 =	vld [tilespmem:s26+$0x10430];
	[tilespmem:s21+$0x12430] =	vst v21  }
0x179: {  	v12 =	vmul.f32 $3.200000000e+01, v12;
	v21 =	vld [tilespmem:s26+$0x12430];
	[tilespmem:s21+$0xC440] =	vst v19  }
0x17a: {  	v13 =	vmul.f32 $3.200000000e+01, v13;
	v19 =	vld [tilespmem:s26+$0xC440];
	[tilespmem:s21+$0xE440] =	vst v24  }
0x17b: {  	v14 =	vmul.f32 $3.200000000e+01, v14;
	v24 =	vld [tilespmem:s26+$0xE440];
	[tilespmem:s21+$0x10440] =	vst v22  }
0x17c: {  	v18 =	vmul.f32 $3.200000000e+01, v18;
	v22 =	vld [tilespmem:s26+$0x10440];
	[tilespmem:s21+$0x12440] =	vst v15  }
0x17d: {  	v16 =	vmul.f32 $3.200000000e+01, v16;
	v15 =	vld [tilespmem:s26+$0x12440];
	[tilespmem:s21+$0xC450] =	vst v23  }
0x17e: {  	v21 =	vmul.f32 $3.200000000e+01, v21;
	v23 =	vld [tilespmem:s26+$0xC450];
	[tilespmem:s21+$0xE450] =	vst v17  }
0x17f: {  	v19 =	vmul.f32 $3.200000000e+01, v19;
	v17 =	vld [tilespmem:s26+$0xE450];
	[tilespmem:s21+$0x10450] =	vst v25  }
0x180: {  	v24 =	vmul.f32 $3.200000000e+01, v24;
	v25 =	vld [tilespmem:s26+$0x10450];
	[tilespmem:s21+$0x12450] =	vst v20  }
0x181: {  	v22 =	vmul.f32 $3.200000000e+01, v22;
	v20 =	vld [tilespmem:s26+$0x12450];
	[tilespmem:s21+$0xC460] =	vst v28  }
0x182: {  	v15 =	vmul.f32 $3.200000000e+01, v15;
	v28 =	vld [tilespmem:s26+$0xC460];
	[tilespmem:s21+$0xE460] =	vst v26  }
0x183: {  	v23 =	vmul.f32 $3.200000000e+01, v23;
	v26 =	vld [tilespmem:s26+$0xE460];
	[tilespmem:s21+$0x10460] =	vst v29  }
0x184: {  	v17 =	vmul.f32 $3.200000000e+01, v17;
	v29 =	vld [tilespmem:s26+$0x10460];
	[tilespmem:s21+$0x12460] =	vst v27  }
0x185: {  	v25 =	vmul.f32 $3.200000000e+01, v25;
	v27 =	vld [tilespmem:s26+$0x12460];
	[tilespmem:s21+$0xE470] =	vst v30  }
0x186: {  	v20 =	vmul.f32 $3.200000000e+01, v20;
	v30 =	vld [tilespmem:s26+$0xC470];
	[tilespmem:s21+$0x10470] =	vst v31;
	s21 =	smov.u32 s26  }
0x187: {  	v28 =	vmul.f32 $3.200000000e+01, v28;
	v31 =	vld [tilespmem:s21+$0xE470]  }
0x188: {  	v26 =	vmul.f32 $3.200000000e+01, v26;
	v33 =	vld [tilespmem:s21+$0x10470]  }
0x189: {  	v38 =	vld [tilespmem:s21+$0x2400];
	v29 =	vmul.f32 $3.200000000e+01, v29  }
.Ltmp2:
0x18a: {  	v37 =	vld [tilespmem:s21+$0x2410];
	v27 =	vmul.f32 $3.200000000e+01, v27;
	(pc) =	sbr.rel @p0 .LBB2_8-.Ltmp2, $4  }
0x18b: {  	v36 =	vld [tilespmem:s21+$0x2420];
	v39 =	vmul.f32 $3.200000000e+01, v30  }
0x18c: {  	v35 =	vld [tilespmem:s21+$0x2430];
	v30 =	vmul.f32 $3.200000000e+01, v31  }
0x18d: {  	v34 =	vld [tilespmem:s21+$0x2440];
	v39 =	vadd.f32 v39, v3;
	v31 =	vmul.f32 $3.200000000e+01, v33  }
0x18e: {  	s25 =	sadd.s32 $0x1000, s25;
	v40 =	vadd.f32 v32, v38;
	v32 =	vadd.f32 v41, v38;
	v33 =	vld [tilespmem:s21+$0x2450]  }
0x18f: {  	[tilespmem:s21+$0xC470] =	vst v39  }
0x190: {  	v4 =	vadd.f32 v4, v38;
	[tilespmem:s21+$0xC400] =	vst v40  }
0x191: {  	v6 =	vadd.f32 v6, v38;
	[tilespmem:s21+$0xE400] =	vst v32  }
0x192: {  	v5 =	vadd.f32 v5, v37;
	[tilespmem:s21+$0x10400] =	vst v4  }
0x193: {  	v41 =	vadd.f32 v8, v37;
	[tilespmem:s21+$0x12400] =	vst v6  }
0x194: {  	v42 =	vadd.f32 v9, v37;
	[tilespmem:s21+$0xC410] =	vst v5  }
0x195: {  	v63 =	vadd.f32 v30, v3;
	[tilespmem:s21+$0x10410] =	vst v41  }
0x196: {  	v3 =	vadd.f32 v31, v3;
	[tilespmem:s21+$0x12410] =	vst v42  }
0x197: {  	v40 =	vadd.f32 v7, v37;
	[tilespmem:s21+$0xE470] =	vst v63  }
0x198: {  	v43 =	vadd.f32 v10, v36;
	[tilespmem:s21+$0x10470] =	vst v3  }
0x199: {  	v44 =	vadd.f32 v11, v36;
	[tilespmem:s21+$0xE410] =	vst v40  }
0x19a: {  	v45 =	vadd.f32 v12, v36;
	[tilespmem:s21+$0xC420] =	vst v43  }
0x19b: {  	v46 =	vadd.f32 v13, v36;
	[tilespmem:s21+$0xE420] =	vst v44  }
0x19c: {  	v47 =	vadd.f32 v14, v35;
	[tilespmem:s21+$0x10420] =	vst v45  }
0x19d: {  	v48 =	vadd.f32 v18, v35;
	[tilespmem:s21+$0x12420] =	vst v46  }
0x19e: {  	v49 =	vadd.f32 v16, v35;
	[tilespmem:s21+$0xC430] =	vst v47  }
0x19f: {  	v50 =	vadd.f32 v21, v35;
	[tilespmem:s21+$0xE430] =	vst v48  }
0x1a0: {  	v51 =	vadd.f32 v19, v34;
	[tilespmem:s21+$0x10430] =	vst v49  }
0x1a1: {  	v52 =	vadd.f32 v24, v34;
	[tilespmem:s21+$0x12430] =	vst v50  }
0x1a2: {  	v53 =	vadd.f32 v22, v34;
	[tilespmem:s21+$0xC440] =	vst v51  }
0x1a3: {  	v54 =	vld [tilespmem:s21+$0x2460];
	v55 =	vadd.f32 v15, v34;
	[tilespmem:s21+$0xE440] =	vst v52  }
0x1a4: {  	v56 =	vadd.f32 v23, v33;
	[tilespmem:s21+$0x10440] =	vst v53  }
0x1a5: {  	v57 =	vadd.f32 v17, v33;
	[tilespmem:s21+$0x12440] =	vst v55  }
0x1a6: {  	v58 =	vadd.f32 v25, v33;
	[tilespmem:s21+$0xC450] =	vst v56  }
0x1a7: {  	s20 =	sadd.s32 $0x1, s20;
	v59 =	vadd.f32 v20, v33;
	[tilespmem:s21+$0xE450] =	vst v57  }
0x1a8: {  	p0 =	sne.s32 s20, $0x8;
	v60 =	vadd.f32 v28, v54;
	[tilespmem:s21+$0x10450] =	vst v58  }
.Ltmp3:
0x1a9: {  	v61 =	vadd.f32 v26, v54;
	[tilespmem:s21+$0x12450] =	vst v59;
	(pc) =	sbr.rel @p0 .LBB2_7-.Ltmp3, $4  }
0x1aa: {  	v62 =	vadd.f32 v29, v54;
	[tilespmem:s21+$0xC460] =	vst v60  }
0x1ab: {  	v5 =	vadd.f32 v27, v54;
	[tilespmem:s21+$0xE460] =	vst v61  }
0x1ac: {  	[tilespmem:s21+$0x10460] =	vst v62  }
0x1ad: {  	s17 =	sadd.s32 $0x200, s17;
	[tilespmem:s21+$0x12460] =	vst v5  }
0x1ae: {  	s16 =	sshll.u32 s16, $0xD  }
0x1af: {  	s16 =	sadd.s32 s10, s16  }
0x1b0: {  	s16 =	sshrl.u32 s16, $0x3  }
0x1b1: {  	s12 =	sadd.s32 $0x1, s12;
	s17 =	sadd.s32 s3, s16;
	s26 =	sor.u32 $0x100000, s16  }
0x1b2: {  	[hbm4b:s17+s4] =	stream.linear.scatter [tilespmem:s1], [sflag:$0x3], $0x2000, $0x38;
	[tilespmem:$0x14400] =	vst v63  }
0x1b3: {  	p0 =	sne.s32 s12, $0x10;
	s17 =	sadd.s32 s3, s26  }
0x1b4: {  	[hbm4b:s17+s4] =	stream.linear.scatter [tilespmem:s18], [sflag:$0x3], $0x2000, $0x38;
	[tilespmem:$0x14400] =	vst v63  }
.Ltmp4:
0x1b5: {  	s29 =	sor.u32 $0x200000, s16;
	(pc) =	sbr.rel @p0 .LBB2_2-.Ltmp4, $4  }
0x1b6: {  	s16 =	sor.u32 $0x300000, s16;
	s17 =	sadd.s32 s3, s29  }
0x1b7: {  	[hbm4b:s17+s4] =	stream.linear.scatter [tilespmem:s24], [sflag:$0x3], $0x2000, $0x38;
	[tilespmem:$0x14400] =	vst v63  }
0x1b8: {  	s16 =	sadd.s32 s3, s16  }
0x1b9: {  	[hbm4b:s16+s4] =	stream.linear.scatter [tilespmem:s30], [sflag:$0x3], $0x2000, $0x38;
	[tilespmem:$0x14400] =	vst v63  }
0x1ba: {  	_ =	swait.ge [sflag:s0], $0x2000  }
0x1bb: {  	[sflag:s0] =	ssyncset.done $0x0  }
0x1bc: {  	[sflag:s0] =	ssyncadd.s32 $0xFFFFE000  }
0x1bd: {  	_ =	swait.ge [sflag:s0], $0x2000  }
0x1be: {  	[sflag:s0] =	ssyncset.done $0x0  }
0x1bf: {  	[sflag:s0] =	ssyncadd.s32 $0xFFFFE000  }
0x1c0: {  	_ =	swait.ge [sflag:s0], $0x2000  }
0x1c1: {  	[sflag:s0] =	ssyncset.done $0x0  }
0x1c2: {  	[sflag:s0] =	ssyncadd.s32 $0xFFFFE000  }
0x1c3: {  	_ =	swait.ge [sflag:s0], $0x2000  }
0x1c4: {  	s16 =	rddreg [dreg:$0x7]  }
0x1c5: {  	s12 =	rddreg [dreg:$0x6];
	s16 =	sadd.s32 $0x1, s16  }
0x1c6: {  	p0 =	sne.s32 s16, s12  }
.Ltmp5:
0x1c7: {  	_ = 	snop;
	(pc) =	sbr.rel @p0 .LBB2_1-.Ltmp5, $3  }
0x1c8: {  	_ =	sdelay $0x1  }
0x1c9: {  	[sflag:s0] =	ssyncset.done $0x0  }
0x1ca: {  	[sflag:s0] =	ssyncadd.s32 $0xFFFFE000  }
0x1cb: {  	_ =	sfence.sel $0x180000  }
0x1cc: {  	[bflag:$0x0] =	sbarrier.arrive $0xFFFF  }
0x1cd: {  	_ =	strace $0x90000047  }
0x1ce: {  	s0 =	stileid.u32;
	[bflag:$0x2] =	sbarrier.arrive $0xFFFF  }
0x1cf: {  	p0 =	sne.s32 s0, $0x0;
	s0 =	rddreg [dreg:$0x4]  }
0x1d0: {  	s0 =	sadd.s32 @!p0 $0x100000, s0  }
0x1d1: {  	[sflag:s0] =	ssyncadd.tile.s32 @!p0 $0x1;
	_ =	shalt  }
.Lfunc_end2:
_tile_overlayer_lowered:
.L_overlay_start_2:
0x1d2: {  	(tag) =	ssettag $0x2  }
0x1d3: {  	s0 =	rddreg [dreg:$0x0];
	s2 =	stileid.u32  }
0x1d4: {  	s1 =	rddreg [dreg:$0x1];
	p0 =	sne.s32 s2, $0x0  }
0x1d5: {  	s3 =	rddreg [dreg:$0x2];
	[bflag:$0x3] =	sbarrier.arrive $0xFFFF;
	s2 =	simm.s32 @!p0 $0x1C04  }
0x1d6: {  	[timem:s3], [sflag:s2] =	dma.local @!p0 [hbm:s0], s1  }
0x1d7: {  	s0 =	simm.s32 @!p0 $0x4  }
0x1d8: {  	_ =	swait.ge @!p0 [sflag:s0], s1  }
0x1d9: {  	s1 =	ssub.s32 @!p0 $0x0, s1;
	[sflag:s0] =	ssyncset.done @!p0 $0x0  }
0x1da: {  	[sflag:s0] =	ssyncadd.s32 @!p0 s1  }
0x1db: {  	[bflag:$0x3] =	sbarrier.arrive $0xFFFF  }
0x1dc: {  	_ =	shalt  }

</sc_bundles>
